<compile_context>
chip_gen: v7x
topology: tpu7x:2x2x1
jax: 0.10.2.dev20260603
libtpu: 0.0.44.dev20260713+nightly
codegen_flags: <defaults>
</compile_context>

<pallas_src>
import functools

import jax
import jax.numpy as jnp
from jax import lax
from jax.experimental import pallas as pl
from jax.experimental.pallas import tpu as pltpu
from jax.experimental.pallas import tpu_sc as plsc

D = 128
N = 2 * D * D * D
NW = 32
PER_W = N // NW
K = 4096
CH = PER_W // K
T = CH // 2
L = 16

_HI_MASK = -65536


def _warp_body(dx_hbm, dy_hbm, dz_hbm, tab_hbm, out_hbm, *sc):
    ddfA, ddfB = sc[0:3], sc[3:6]
    wA, wB = sc[6:9], sc[9:12]
    iA, iB = sc[12:16], sc[16:20]
    gA, gB = sc[20:24], sc[24:28]
    outA, outB = sc[28], sc[29]
    semA, semB, dsemA, dsemB, osemA, osemB = sc[30:36]

    wid = lax.axis_index("s") * 2 + lax.axis_index("c")
    lanes = lax.iota(jnp.int32, L)

    def ddf_copies(c, bufs, sem):
        base = wid * PER_W + c * K
        return [
            pltpu.make_async_copy(dx_hbm.at[pl.ds(base, K)], bufs[0], sem),
            pltpu.make_async_copy(dy_hbm.at[pl.ds(base, K)], bufs[1], sem),
            pltpu.make_async_copy(dz_hbm.at[pl.ds(base, K)], bufs[2], sem),
        ]

    def start_ddf(c, bufs, sem):
        for cp in ddf_copies(c, bufs, sem):
            cp.start()

    def wait_ddf(c, bufs, sem):
        for cp in ddf_copies(c, bufs, sem):
            cp.wait()

    def out_copy(c, buf, sem):
        base = wid * PER_W + c * K
        return pltpu.make_async_copy(buf, out_hbm.at[pl.ds(base, K)], sem)

    def compute_idx(c, ddfv, idxs, ws):
        base = wid * PER_W + c * K
        dxv, dyv, dzv = ddfv
        wxv, wyv, wzv = ws

        def idx_body(i, carry):
            o = i * L
            sl = pl.ds(o, L)
            p = base + o + lanes
            z = p & (D - 1)
            y = (p >> 7) & (D - 1)
            x = (p >> 14) & (D - 1)
            b = p >> 21

            fx = jnp.clip(x.astype(jnp.float32) + dxv[sl], 0.0, float(D - 1))
            fy = jnp.clip(y.astype(jnp.float32) + dyv[sl], 0.0, float(D - 1))
            fz = jnp.clip(z.astype(jnp.float32) + dzv[sl], 0.0, float(D - 1))
            cx = fx.astype(jnp.int32)
            cy = fy.astype(jnp.int32)
            cz = fz.astype(jnp.int32)
            wxv[sl] = fx - cx.astype(jnp.float32)
            wyv[sl] = fy - cy.astype(jnp.float32)
            wzv[sl] = fz - cz.astype(jnp.float32)
            cx1 = jnp.minimum(cx + 1, D - 1)
            cy1 = jnp.minimum(cy + 1, D - 1)

            bx0 = (b << 7) + cx
            bx1 = (b << 7) + cx1
            idxs[0][sl] = (((bx0 << 7) + cy) << 7) + cz
            idxs[1][sl] = (((bx0 << 7) + cy1) << 7) + cz
            idxs[2][sl] = (((bx1 << 7) + cy) << 7) + cz
            idxs[3][sl] = (((bx1 << 7) + cy1) << 7) + cz
            return carry

        lax.fori_loop(0, K // L, idx_body, 0)

    def issue_gathers(idxs, gs, sem):
        for j in range(4):
            pltpu.make_async_copy(tab_hbm.at[idxs[j]], gs[j], sem).start()

    def wait_gathers(idxs, gs, sem):
        for j in range(4):
            pltpu.make_async_copy(tab_hbm.at[idxs[j]], gs[j], sem).wait()

    def blend(gs, ws, outv):
        wxv, wyv, wzv = ws

        def zlerp(v, wz):
            z0 = lax.bitcast_convert_type(v & _HI_MASK, jnp.float32)
            z1 = lax.bitcast_convert_type(v << 16, jnp.float32)
            return z0 + (z1 - z0) * wz

        def blend_body(i, carry):
            sl = pl.ds(i * L, L)
            wx = wxv[sl]
            wy = wyv[sl]
            wz = wzv[sl]
            a00 = zlerp(gs[0][sl], wz)
            a01 = zlerp(gs[1][sl], wz)
            a10 = zlerp(gs[2][sl], wz)
            a11 = zlerp(gs[3][sl], wz)
            b0 = a00 + (a01 - a00) * wy
            b1 = a10 + (a11 - a10) * wy
            outv[sl] = b0 + (b1 - b0) * wx
            return carry

        lax.fori_loop(0, K // L, blend_body, 0)

    def body(t, carry):
        c0 = 2 * t
        wait_ddf(c0, ddfA, dsemA)
        start_ddf(c0 + 1, ddfB, dsemB)
        compute_idx(c0, ddfA, iA, wA)
        issue_gathers(iA, gA, semA)

        @pl.when(t > 0)
        def _():
            wait_gathers(iB, gB, semB)

            @pl.when(t > 1)
            def _():
                out_copy(2 * t - 3, outB, osemB).wait()

            blend(gB, wB, outB)
            out_copy(c0 - 1, outB, osemB).start()

        wait_ddf(c0 + 1, ddfB, dsemB)

        @pl.when(t < T - 1)
        def _():
            start_ddf(c0 + 2, ddfA, dsemA)

        compute_idx(c0 + 1, ddfB, iB, wB)
        issue_gathers(iB, gB, semB)

        wait_gathers(iA, gA, semA)

        @pl.when(t > 0)
        def _():
            out_copy(2 * t - 2, outA, osemA).wait()

        blend(gA, wA, outA)
        out_copy(c0, outA, osemA).start()
        return carry

    start_ddf(0, ddfA, dsemA)
    lax.fori_loop(0, T, body, 0)
    wait_gathers(iB, gB, semB)
    out_copy(CH - 3, outB, osemB).wait()
    blend(gB, wB, outB)
    out_copy(CH - 1, outB, osemB).start()
    out_copy(CH - 1, outB, osemB).wait()
    out_copy(CH - 2, outA, osemA).wait()


@functools.partial(jax.jit, static_argnames=())
def _warp(ddf, image):
    dx = ddf[..., 0].reshape(-1)
    dy = ddf[..., 1].reshape(-1)
    dz = ddf[..., 2].reshape(-1)
    img_flat = image.reshape(-1)
    b0 = img_flat.astype(jnp.bfloat16)
    b1 = jnp.concatenate([b0[1:], jnp.zeros((1,), jnp.bfloat16)])
    u0 = lax.bitcast_convert_type(b0, jnp.uint16).astype(jnp.uint32)
    u1 = lax.bitcast_convert_type(b1, jnp.uint16).astype(jnp.uint32)
    tab = lax.bitcast_convert_type((u0 << 16) | u1, jnp.int32)

    mesh = plsc.VectorSubcoreMesh(core_axis_name="c", subcore_axis_name="s")
    kern = functools.partial(
        pl.kernel,
        mesh=mesh,
        compiler_params=pltpu.CompilerParams(needs_layout_passes=False),
        out_type=jax.ShapeDtypeStruct((N,), jnp.float32),
        scratch_types=(
            [pltpu.VMEM((K,), jnp.float32) for _ in range(6)]
            + [pltpu.VMEM((K,), jnp.float32) for _ in range(6)]
            + [pltpu.VMEM((K,), jnp.int32) for _ in range(8)]
            + [pltpu.VMEM((K,), jnp.int32) for _ in range(8)]
            + [pltpu.VMEM((K,), jnp.float32) for _ in range(2)]
            + [pltpu.SemaphoreType.DMA for _ in range(6)]
        ),
    )(_warp_body)
    return kern(dx, dy, dz, tab)


def kernel(ddf, image):
    return _warp(ddf, image).reshape(image.shape)

# --- scband reference (transcript-rebuilt; emitter-appended) ---
"""Pipeline reference for scband-warping-85529978732898 (READ-ONLY COPY).

The authoritative reference and input builder live on the scoring server;
editing this copy changes nothing except your own understanding.
"""

import jax, jax.numpy as jnp
import numpy as np


def get_reference_grid(grid_size):
    # DeepReg layer_util.get_reference_grid: float32 meshgrid of voxel indices, shape [d1,d2,d3,3]
    return jnp.stack(
        jnp.meshgrid(
            jnp.arange(grid_size[0], dtype=jnp.float32),
            jnp.arange(grid_size[1], dtype=jnp.float32),
            jnp.arange(grid_size[2], dtype=jnp.float32),
            indexing='ij',
        ),
        axis=-1,
    )


def resample(vol, loc):
    # vol: [b, m1, m2, m3] float32; loc: [b, f1, f2, f3, 3] float32
    # trilinear interpolation with boundary clamping (DeepReg layer_util.resample, linear)
    b = vol.shape[0]
    dims = vol.shape[1:4]
    floors = []
    weights = []
    for i in range(3):
        l = jnp.clip(loc[..., i], 0.0, float(dims[i] - 1))
        f = jnp.floor(l)
        floors.append(f.astype(jnp.int32))
        weights.append(l - f)
    bidx = jnp.arange(b).reshape((b, 1, 1, 1))

    out = jnp.zeros(loc.shape[:-1], dtype=vol.dtype)
    for i0 in (0, 1):
        c0 = jnp.clip(floors[0] + i0, 0, dims[0] - 1)
        w0 = weights[0] if i0 == 1 else (1.0 - weights[0])
        for i1 in (0, 1):
            c1 = jnp.clip(floors[1] + i1, 0, dims[1] - 1)
            w1 = weights[1] if i1 == 1 else (1.0 - weights[1])
            for i2 in (0, 1):
                c2 = jnp.clip(floors[2] + i2, 0, dims[2] - 1)
                w2 = weights[2] if i2 == 1 else (1.0 - weights[2])
                out = out + w0 * w1 * w2 * vol[bidx, c0, c1, c2]
    return out


def setup_inputs(seed: int = 0) -> dict:
    key = jax.random.key(seed)
    k1, k2 = jax.random.split(key)
    ddf = jax.random.normal(k1, (2, 128, 128, 128, 3), dtype=jnp.float32)
    image = jax.random.normal(k2, (2, 128, 128, 128), dtype=jnp.float32)
    return {"ddf": ddf, "image": image}


def reference(ddf, image):
    grid_ref = get_reference_grid(ddf.shape[1:4])[None]  # [1, f1, f2, f3, 3]
    grid_warped = grid_ref + ddf
    image_warped = resample(vol=image, loc=grid_warped)
    return image_warped

if __name__ == "__main__":
    import jax
    _d = setup_inputs()
    print(jax.jit(kernel)(*tuple(_d.values())))

</pallas_src>

<mosaic_0001>
#map = affine_map<(d0, d1) -> (0)>
module attributes {stable_mosaic.version = 14 : i64} {
  func.func @_warp_body(%arg0: i32, %arg1: i32, %arg2: memref<4194304xf32, #tpu.memory_space<hbm>>, %arg3: memref<4194304xf32, #tpu.memory_space<hbm>>, %arg4: memref<4194304xf32, #tpu.memory_space<hbm>>, %arg5: memref<4194304xi32, #tpu.memory_space<hbm>>, %arg6: memref<4194304xf32, #tpu.memory_space<hbm>>, %arg7: memref<4096xf32, #tpu.memory_space<vmem>>, %arg8: memref<4096xf32, #tpu.memory_space<vmem>>, %arg9: memref<4096xf32, #tpu.memory_space<vmem>>, %arg10: memref<4096xf32, #tpu.memory_space<vmem>>, %arg11: memref<4096xf32, #tpu.memory_space<vmem>>, %arg12: memref<4096xf32, #tpu.memory_space<vmem>>, %arg13: memref<4096xf32, #tpu.memory_space<vmem>>, %arg14: memref<4096xf32, #tpu.memory_space<vmem>>, %arg15: memref<4096xf32, #tpu.memory_space<vmem>>, %arg16: memref<4096xf32, #tpu.memory_space<vmem>>, %arg17: memref<4096xf32, #tpu.memory_space<vmem>>, %arg18: memref<4096xf32, #tpu.memory_space<vmem>>, %arg19: memref<4096xi32, #tpu.memory_space<vmem>>, %arg20: memref<4096xi32, #tpu.memory_space<vmem>>, %arg21: memref<4096xi32, #tpu.memory_space<vmem>>, %arg22: memref<4096xi32, #tpu.memory_space<vmem>>, %arg23: memref<4096xi32, #tpu.memory_space<vmem>>, %arg24: memref<4096xi32, #tpu.memory_space<vmem>>, %arg25: memref<4096xi32, #tpu.memory_space<vmem>>, %arg26: memref<4096xi32, #tpu.memory_space<vmem>>, %arg27: memref<4096xi32, #tpu.memory_space<vmem>>, %arg28: memref<4096xi32, #tpu.memory_space<vmem>>, %arg29: memref<4096xi32, #tpu.memory_space<vmem>>, %arg30: memref<4096xi32, #tpu.memory_space<vmem>>, %arg31: memref<4096xi32, #tpu.memory_space<vmem>>, %arg32: memref<4096xi32, #tpu.memory_space<vmem>>, %arg33: memref<4096xi32, #tpu.memory_space<vmem>>, %arg34: memref<4096xi32, #tpu.memory_space<vmem>>, %arg35: memref<4096xf32, #tpu.memory_space<vmem>>, %arg36: memref<4096xf32, #tpu.memory_space<vmem>>, %arg37: memref<!tpu.dma_semaphore, #tpu.memory_space<semaphore_mem>>, %arg38: memref<!tpu.dma_semaphore, #tpu.memory_space<semaphore_mem>>, %arg39: memref<!tpu.dma_semaphore, #tpu.memory_space<semaphore_mem>>, %arg40: memref<!tpu.dma_semaphore, #tpu.memory_space<semaphore_mem>>, %arg41: memref<!tpu.dma_semaphore, #tpu.memory_space<semaphore_mem>>, %arg42: memref<!tpu.dma_semaphore, #tpu.memory_space<semaphore_mem>>) attributes {dimension_semantics = [#tpu.dimension_semantics<core_parallel>, #tpu.dimension_semantics<subcore_parallel>], iteration_bounds = array<i64: 2, 16>, scalar_prefetch = 0 : i64, scratch_operands = 36 : i64, tpu.core_type = #tpu.core_type<sc_vector_subcore>, window_params = [{transform_indices = #map}, {transform_indices = #map}, {transform_indices = #map}, {transform_indices = #map}, {transform_indices = #map}]} {
    %mul3A = arith.constant 2 : i32
    %mul3A_0 = arith.muli %arg1, %mul3A : i32
    %add3A = arith.addi %mul3A_0, %arg0 : i32
    %iota3A = tpu.iota {dimensions = array<i32: 0>} : vector<16xi32>
    %mul3A_1 = arith.constant 131072 : i32
    %mul3A_2 = arith.muli %add3A, %mul3A_1 : i32
    %add3A_3 = arith.constant 0 : i32
    %add3A_4 = arith.addi %mul3A_2, %add3A_3 : i32
    %dma_start3A = tpu.memref_slice %arg2[%add3A_4] : memref<4194304xf32, #tpu.memory_space<hbm>> -> memref<4096xf32, #tpu.memory_space<hbm>>
    %dma_start3A_5 = tpu.memref_slice %arg2[%add3A_4] : memref<4194304xf32, #tpu.memory_space<hbm>> -> memref<4096xf32, #tpu.memory_space<hbm>>
    tpu.enqueue_dma source(%dma_start3A_5 : memref<4096xf32, #tpu.memory_space<hbm>>) target(%arg7 : memref<4096xf32, #tpu.memory_space<vmem>>) target_semaphore(%arg39 : memref<!tpu.dma_semaphore, #tpu.memory_space<semaphore_mem>>)
    %dma_start3A_6 = tpu.memref_slice %arg3[%add3A_4] : memref<4194304xf32, #tpu.memory_space<hbm>> -> memref<4096xf32, #tpu.memory_space<hbm>>
    %dma_start3A_7 = tpu.memref_slice %arg3[%add3A_4] : memref<4194304xf32, #tpu.memory_space<hbm>> -> memref<4096xf32, #tpu.memory_space<hbm>>
    tpu.enqueue_dma source(%dma_start3A_7 : memref<4096xf32, #tpu.memory_space<hbm>>) target(%arg8 : memref<4096xf32, #tpu.memory_space<vmem>>) target_semaphore(%arg39 : memref<!tpu.dma_semaphore, #tpu.memory_space<semaphore_mem>>)
    %dma_start3A_8 = tpu.memref_slice %arg4[%add3A_4] : memref<4194304xf32, #tpu.memory_space<hbm>> -> memref<4096xf32, #tpu.memory_space<hbm>>
    %dma_start3A_9 = tpu.memref_slice %arg4[%add3A_4] : memref<4194304xf32, #tpu.memory_space<hbm>> -> memref<4096xf32, #tpu.memory_space<hbm>>
    tpu.enqueue_dma source(%dma_start3A_9 : memref<4096xf32, #tpu.memory_space<hbm>>) target(%arg9 : memref<4096xf32, #tpu.memory_space<vmem>>) target_semaphore(%arg39 : memref<!tpu.dma_semaphore, #tpu.memory_space<semaphore_mem>>)
    %scan3A = arith.constant 0 : i32
    %scan3A_10 = arith.constant 0 : i32
    %scan3A_11 = arith.constant 16 : i32
    %scan3A_12 = arith.addi %scan3A_10, %scan3A_11 : i32
    %scan3A_13 = arith.constant 1 : i32
    scf.for %scan3A_52 = %scan3A_10 to %scan3A_12 step %scan3A_13  : i32 {
      %mul3A_53 = arith.constant 2 : i32
      %mul3A_54 = arith.muli %mul3A_53, %scan3A_52 : i32
      %mul3A_55 = arith.constant 131072 : i32
      %mul3A_56 = arith.muli %add3A, %mul3A_55 : i32
      %mul3A_57 = arith.constant 4096 : i32
      %mul3A_58 = arith.muli %mul3A_54, %mul3A_57 : i32
      %add3A_59 = arith.addi %mul3A_56, %mul3A_58 : i32
      %dma_wait3A_60 = tpu.memref_slice %arg2[%add3A_59] : memref<4194304xf32, #tpu.memory_space<hbm>> -> memref<4096xf32, #tpu.memory_space<hbm>>
      %dma_wait3A_61 = tpu.memref_slice %arg2[%add3A_59] : memref<4194304xf32, #tpu.memory_space<hbm>> -> memref<4096xf32, #tpu.memory_space<hbm>>
      tpu.wait_dma2 semaphore(%arg39 : memref<!tpu.dma_semaphore, #tpu.memory_space<semaphore_mem>>) src(%dma_wait3A_61 : memref<4096xf32, #tpu.memory_space<hbm>>) dst(%arg7 : memref<4096xf32, #tpu.memory_space<vmem>>)
      %dma_wait3A_62 = tpu.memref_slice %arg3[%add3A_59] : memref<4194304xf32, #tpu.memory_space<hbm>> -> memref<4096xf32, #tpu.memory_space<hbm>>
      %dma_wait3A_63 = tpu.memref_slice %arg3[%add3A_59] : memref<4194304xf32, #tpu.memory_space<hbm>> -> memref<4096xf32, #tpu.memory_space<hbm>>
      tpu.wait_dma2 semaphore(%arg39 : memref<!tpu.dma_semaphore, #tpu.memory_space<semaphore_mem>>) src(%dma_wait3A_63 : memref<4096xf32, #tpu.memory_space<hbm>>) dst(%arg8 : memref<4096xf32, #tpu.memory_space<vmem>>)
      %dma_wait3A_64 = tpu.memref_slice %arg4[%add3A_59] : memref<4194304xf32, #tpu.memory_space<hbm>> -> memref<4096xf32, #tpu.memory_space<hbm>>
      %dma_wait3A_65 = tpu.memref_slice %arg4[%add3A_59] : memref<4194304xf32, #tpu.memory_space<hbm>> -> memref<4096xf32, #tpu.memory_space<hbm>>
      tpu.wait_dma2 semaphore(%arg39 : memref<!tpu.dma_semaphore, #tpu.memory_space<semaphore_mem>>) src(%dma_wait3A_65 : memref<4096xf32, #tpu.memory_space<hbm>>) dst(%arg9 : memref<4096xf32, #tpu.memory_space<vmem>>)
      %add3A_66 = arith.constant 1 : i32
      %add3A_67 = arith.addi %mul3A_54, %add3A_66 : i32
      %mul3A_68 = arith.constant 131072 : i32
      %mul3A_69 = arith.muli %add3A, %mul3A_68 : i32
      %mul3A_70 = arith.constant 4096 : i32
      %mul3A_71 = arith.muli %add3A_67, %mul3A_70 : i32
      %add3A_72 = arith.addi %mul3A_69, %mul3A_71 : i32
      %dma_start3A_73 = tpu.memref_slice %arg2[%add3A_72] : memref<4194304xf32, #tpu.memory_space<hbm>> -> memref<4096xf32, #tpu.memory_space<hbm>>
      %dma_start3A_74 = tpu.memref_slice %arg2[%add3A_72] : memref<4194304xf32, #tpu.memory_space<hbm>> -> memref<4096xf32, #tpu.memory_space<hbm>>
      tpu.enqueue_dma source(%dma_start3A_74 : memref<4096xf32, #tpu.memory_space<hbm>>) target(%arg10 : memref<4096xf32, #tpu.memory_space<vmem>>) target_semaphore(%arg40 : memref<!tpu.dma_semaphore, #tpu.memory_space<semaphore_mem>>)
      %dma_start3A_75 = tpu.memref_slice %arg3[%add3A_72] : memref<4194304xf32, #tpu.memory_space<hbm>> -> memref<4096xf32, #tpu.memory_space<hbm>>
      %dma_start3A_76 = tpu.memref_slice %arg3[%add3A_72] : memref<4194304xf32, #tpu.memory_space<hbm>> -> memref<4096xf32, #tpu.memory_space<hbm>>
      tpu.enqueue_dma source(%dma_start3A_76 : memref<4096xf32, #tpu.memory_space<hbm>>) target(%arg11 : memref<4096xf32, #tpu.memory_space<vmem>>) target_semaphore(%arg40 : memref<!tpu.dma_semaphore, #tpu.memory_space<semaphore_mem>>)
      %dma_start3A_77 = tpu.memref_slice %arg4[%add3A_72] : memref<4194304xf32, #tpu.memory_space<hbm>> -> memref<4096xf32, #tpu.memory_space<hbm>>
      %dma_start3A_78 = tpu.memref_slice %arg4[%add3A_72] : memref<4194304xf32, #tpu.memory_space<hbm>> -> memref<4096xf32, #tpu.memory_space<hbm>>
      tpu.enqueue_dma source(%dma_start3A_78 : memref<4096xf32, #tpu.memory_space<hbm>>) target(%arg12 : memref<4096xf32, #tpu.memory_space<vmem>>) target_semaphore(%arg40 : memref<!tpu.dma_semaphore, #tpu.memory_space<semaphore_mem>>)
      %mul3A_79 = arith.constant 131072 : i32
      %mul3A_80 = arith.muli %add3A, %mul3A_79 : i32
      %mul3A_81 = arith.constant 4096 : i32
      %mul3A_82 = arith.muli %mul3A_54, %mul3A_81 : i32
      %add3A_83 = arith.addi %mul3A_80, %mul3A_82 : i32
      %scan3A_84 = arith.constant 0 : i32
      %scan3A_85 = arith.constant 0 : i32
      %scan3A_86 = arith.constant 256 : i32
      %scan3A_87 = arith.addi %scan3A_85, %scan3A_86 : i32
      %scan3A_88 = arith.constant 1 : i32
      scf.for %scan3A_164 = %scan3A_85 to %scan3A_87 step %scan3A_88  : i32 {
        %mul3A_165 = arith.constant 16 : i32
        %mul3A_166 = arith.muli %scan3A_164, %mul3A_165 : i32
        %add3A_167 = arith.addi %add3A_83, %mul3A_166 : i32
        %add3A_168 = vector.broadcast %add3A_167 : i32 to vector<16xi32>
        %add3A_169 = arith.addi %add3A_168, %iota3A : vector<16xi32>
        %and3A = arith.constant 127 : i32
        %and3A_170 = vector.broadcast %and3A : i32 to vector<16xi32>
        %and3A_171 = arith.andi %add3A_169, %and3A_170 : vector<16xi32>
        %shift_right_arithmetic3A = arith.constant 7 : i32
        %shift_right_arithmetic3A_172 = vector.broadcast %shift_right_arithmetic3A : i32 to vector<16xi32>
        %shift_right_arithmetic3A_173 = arith.shrsi %add3A_169, %shift_right_arithmetic3A_172 : vector<16xi32>
        %and3A_174 = arith.constant 127 : i32
        %and3A_175 = vector.broadcast %and3A_174 : i32 to vector<16xi32>
        %and3A_176 = arith.andi %shift_right_arithmetic3A_173, %and3A_175 : vector<16xi32>
        %shift_right_arithmetic3A_177 = arith.constant 14 : i32
        %shift_right_arithmetic3A_178 = vector.broadcast %shift_right_arithmetic3A_177 : i32 to vector<16xi32>
        %shift_right_arithmetic3A_179 = arith.shrsi %add3A_169, %shift_right_arithmetic3A_178 : vector<16xi32>
        %and3A_180 = arith.constant 127 : i32
        %and3A_181 = vector.broadcast %and3A_180 : i32 to vector<16xi32>
        %and3A_182 = arith.andi %shift_right_arithmetic3A_179, %and3A_181 : vector<16xi32>
        %shift_right_arithmetic3A_183 = arith.constant 21 : i32
        %shift_right_arithmetic3A_184 = vector.broadcast %shift_right_arithmetic3A_183 : i32 to vector<16xi32>
        %shift_right_arithmetic3A_185 = arith.shrsi %add3A_169, %shift_right_arithmetic3A_184 : vector<16xi32>
        %convert_element_type3A_186 = arith.sitofp %and3A_182 : vector<16xi32> to vector<16xf32>
        %get3A = arith.index_cast %mul3A_166 : i32 to index
        %get3A_187 = tpu.vector_load %arg7[%get3A] {strides = array<i32>} : memref<4096xf32, #tpu.memory_space<vmem>>, vector<16xf32>,
        %add3A_188 = arith.addf %convert_element_type3A_186, %get3A_187 : vector<16xf32>
        %jit3A = arith.constant 0.000000e+00 : f32
        %jit3A_189 = arith.constant 1.270000e+02 : f32
        %max3A = vector.broadcast %jit3A : f32 to vector<16xf32>
        %max3A_190 = arith.maximumf %max3A, %add3A_188 : vector<16xf32>
        %min3A = vector.broadcast %jit3A_189 : f32 to vector<16xf32>
        %min3A_191 = arith.minimumf %min3A, %max3A_190 : vector<16xf32>
        %convert_element_type3A_192 = arith.sitofp %and3A_176 : vector<16xi32> to vector<16xf32>
        %get3A_193 = arith.index_cast %mul3A_166 : i32 to index
        %get3A_194 = tpu.vector_load %arg8[%get3A_193] {strides = array<i32>} : memref<4096xf32, #tpu.memory_space<vmem>>, vector<16xf32>,
        %add3A_195 = arith.addf %convert_element_type3A_192, %get3A_194 : vector<16xf32>
        %jit3A_196 = arith.constant 0.000000e+00 : f32
        %jit3A_197 = arith.constant 1.270000e+02 : f32
        %max3A_198 = vector.broadcast %jit3A_196 : f32 to vector<16xf32>
        %max3A_199 = arith.maximumf %max3A_198, %add3A_195 : vector<16xf32>
        %min3A_200 = vector.broadcast %jit3A_197 : f32 to vector<16xf32>
        %min3A_201 = arith.minimumf %min3A_200, %max3A_199 : vector<16xf32>
        %convert_element_type3A_202 = arith.sitofp %and3A_171 : vector<16xi32> to vector<16xf32>
        %get3A_203 = arith.index_cast %mul3A_166 : i32 to index
        %get3A_204 = tpu.vector_load %arg9[%get3A_203] {strides = array<i32>} : memref<4096xf32, #tpu.memory_space<vmem>>, vector<16xf32>,
        %add3A_205 = arith.addf %convert_element_type3A_202, %get3A_204 : vector<16xf32>
        %jit3A_206 = arith.constant 0.000000e+00 : f32
        %jit3A_207 = arith.constant 1.270000e+02 : f32
        %max3A_208 = vector.broadcast %jit3A_206 : f32 to vector<16xf32>
        %max3A_209 = arith.maximumf %max3A_208, %add3A_205 : vector<16xf32>
        %min3A_210 = vector.broadcast %jit3A_207 : f32 to vector<16xf32>
        %min3A_211 = arith.minimumf %min3A_210, %max3A_209 : vector<16xf32>
        %convert_element_type3A_212 = arith.fptosi %min3A_191 : vector<16xf32> to vector<16xi32>
        %convert_element_type3A_213 = arith.fptosi %min3A_201 : vector<16xf32> to vector<16xi32>
        %convert_element_type3A_214 = arith.fptosi %min3A_211 : vector<16xf32> to vector<16xi32>
        %convert_element_type3A_215 = arith.sitofp %convert_element_type3A_212 : vector<16xi32> to vector<16xf32>
        %sub3A = arith.subf %min3A_191, %convert_element_type3A_215 : vector<16xf32>
        %swap3A = arith.index_cast %mul3A_166 : i32 to index
        %swap3A_216 = tpu.vector_load %arg13[%swap3A] {strides = array<i32>} : memref<4096xf32, #tpu.memory_space<vmem>>, vector<16xf32>,
        tpu.vector_store %arg13[%swap3A], %sub3A {strides = array<i32>} : memref<4096xf32, #tpu.memory_space<vmem>>, vector<16xf32>,
        %convert_element_type3A_217 = arith.sitofp %convert_element_type3A_213 : vector<16xi32> to vector<16xf32>
        %sub3A_218 = arith.subf %min3A_201, %convert_element_type3A_217 : vector<16xf32>
        %swap3A_219 = arith.index_cast %mul3A_166 : i32 to index
        %swap3A_220 = tpu.vector_load %arg14[%swap3A_219] {strides = array<i32>} : memref<4096xf32, #tpu.memory_space<vmem>>, vector<16xf32>,
        tpu.vector_store %arg14[%swap3A_219], %sub3A_218 {strides = array<i32>} : memref<4096xf32, #tpu.memory_space<vmem>>, vector<16xf32>,
        %convert_element_type3A_221 = arith.sitofp %convert_element_type3A_214 : vector<16xi32> to vector<16xf32>
        %sub3A_222 = arith.subf %min3A_211, %convert_element_type3A_221 : vector<16xf32>
        %swap3A_223 = arith.index_cast %mul3A_166 : i32 to index
        %swap3A_224 = tpu.vector_load %arg15[%swap3A_223] {strides = array<i32>} : memref<4096xf32, #tpu.memory_space<vmem>>, vector<16xf32>,
        tpu.vector_store %arg15[%swap3A_223], %sub3A_222 {strides = array<i32>} : memref<4096xf32, #tpu.memory_space<vmem>>, vector<16xf32>,
        %add3A_225 = arith.constant 1 : i32
        %add3A_226 = vector.broadcast %add3A_225 : i32 to vector<16xi32>
        %add3A_227 = arith.addi %convert_element_type3A_212, %add3A_226 : vector<16xi32>
        %min3A_228 = arith.constant 127 : i32
        %min3A_229 = vector.broadcast %min3A_228 : i32 to vector<16xi32>
        %min3A_230 = arith.minsi %add3A_227, %min3A_229 : vector<16xi32>
        %add3A_231 = arith.constant 1 : i32
        %add3A_232 = vector.broadcast %add3A_231 : i32 to vector<16xi32>
        %add3A_233 = arith.addi %convert_element_type3A_213, %add3A_232 : vector<16xi32>
        %min3A_234 = arith.constant 127 : i32
        %min3A_235 = vector.broadcast %min3A_234 : i32 to vector<16xi32>
        %min3A_236 = arith.minsi %add3A_233, %min3A_235 : vector<16xi32>
        %shift_left3A = arith.constant 7 : i32
        %shift_left3A_237 = vector.broadcast %shift_left3A : i32 to vector<16xi32>
        %shift_left3A_238 = arith.shli %shift_right_arithmetic3A_185, %shift_left3A_237 : vector<16xi32>
        %add3A_239 = arith.addi %shift_left3A_238, %convert_element_type3A_212 : vector<16xi32>
        %shift_left3A_240 = arith.constant 7 : i32
        %shift_left3A_241 = vector.broadcast %shift_left3A_240 : i32 to vector<16xi32>
        %shift_left3A_242 = arith.shli %shift_right_arithmetic3A_185, %shift_left3A_241 : vector<16xi32>
        %add3A_243 = arith.addi %shift_left3A_242, %min3A_230 : vector<16xi32>
        %shift_left3A_244 = arith.constant 7 : i32
        %shift_left3A_245 = vector.broadcast %shift_left3A_244 : i32 to vector<16xi32>
        %shift_left3A_246 = arith.shli %add3A_239, %shift_left3A_245 : vector<16xi32>
        %add3A_247 = arith.addi %shift_left3A_246, %convert_element_type3A_213 : vector<16xi32>
        %shift_left3A_248 = arith.constant 7 : i32
        %shift_left3A_249 = vector.broadcast %shift_left3A_248 : i32 to vector<16xi32>
        %shift_left3A_250 = arith.shli %add3A_247, %shift_left3A_249 : vector<16xi32>
        %add3A_251 = arith.addi %shift_left3A_250, %convert_element_type3A_214 : vector<16xi32>
        %swap3A_252 = arith.index_cast %mul3A_166 : i32 to index
        %swap3A_253 = tpu.vector_load %arg19[%swap3A_252] {strides = array<i32>} : memref<4096xi32, #tpu.memory_space<vmem>>, vector<16xi32>,
        tpu.vector_store %arg19[%swap3A_252], %add3A_251 {strides = array<i32>} : memref<4096xi32, #tpu.memory_space<vmem>>, vector<16xi32>,
        %shift_left3A_254 = arith.constant 7 : i32
        %shift_left3A_255 = vector.broadcast %shift_left3A_254 : i32 to vector<16xi32>
        %shift_left3A_256 = arith.shli %add3A_239, %shift_left3A_255 : vector<16xi32>
        %add3A_257 = arith.addi %shift_left3A_256, %min3A_236 : vector<16xi32>
        %shift_left3A_258 = arith.constant 7 : i32
        %shift_left3A_259 = vector.broadcast %shift_left3A_258 : i32 to vector<16xi32>
        %shift_left3A_260 = arith.shli %add3A_257, %shift_left3A_259 : vector<16xi32>
        %add3A_261 = arith.addi %shift_left3A_260, %convert_element_type3A_214 : vector<16xi32>
        %swap3A_262 = arith.index_cast %mul3A_166 : i32 to index
        %swap3A_263 = tpu.vector_load %arg20[%swap3A_262] {strides = array<i32>} : memref<4096xi32, #tpu.memory_space<vmem>>, vector<16xi32>,
        tpu.vector_store %arg20[%swap3A_262], %add3A_261 {strides = array<i32>} : memref<4096xi32, #tpu.memory_space<vmem>>, vector<16xi32>,
        %shift_left3A_264 = arith.constant 7 : i32
        %shift_left3A_265 = vector.broadcast %shift_left3A_264 : i32 to vector<16xi32>
        %shift_left3A_266 = arith.shli %add3A_243, %shift_left3A_265 : vector<16xi32>
        %add3A_267 = arith.addi %shift_left3A_266, %convert_element_type3A_213 : vector<16xi32>
        %shift_left3A_268 = arith.constant 7 : i32
        %shift_left3A_269 = vector.broadcast %shift_left3A_268 : i32 to vector<16xi32>
        %shift_left3A_270 = arith.shli %add3A_267, %shift_left3A_269 : vector<16xi32>
        %add3A_271 = arith.addi %shift_left3A_270, %convert_element_type3A_214 : vector<16xi32>
        %swap3A_272 = arith.index_cast %mul3A_166 : i32 to index
        %swap3A_273 = tpu.vector_load %arg21[%swap3A_272] {strides = array<i32>} : memref<4096xi32, #tpu.memory_space<vmem>>, vector<16xi32>,
        tpu.vector_store %arg21[%swap3A_272], %add3A_271 {strides = array<i32>} : memref<4096xi32, #tpu.memory_space<vmem>>, vector<16xi32>,
        %shift_left3A_274 = arith.constant 7 : i32
        %shift_left3A_275 = vector.broadcast %shift_left3A_274 : i32 to vector<16xi32>
        %shift_left3A_276 = arith.shli %add3A_243, %shift_left3A_275 : vector<16xi32>
        %add3A_277 = arith.addi %shift_left3A_276, %min3A_236 : vector<16xi32>
        %shift_left3A_278 = arith.constant 7 : i32
        %shift_left3A_279 = vector.broadcast %shift_left3A_278 : i32 to vector<16xi32>
        %shift_left3A_280 = arith.shli %add3A_277, %shift_left3A_279 : vector<16xi32>
        %add3A_281 = arith.addi %shift_left3A_280, %convert_element_type3A_214 : vector<16xi32>
        %swap3A_282 = arith.index_cast %mul3A_166 : i32 to index
        %swap3A_283 = tpu.vector_load %arg22[%swap3A_282] {strides = array<i32>} : memref<4096xi32, #tpu.memory_space<vmem>>, vector<16xi32>,
        tpu.vector_store %arg22[%swap3A_282], %add3A_281 {strides = array<i32>} : memref<4096xi32, #tpu.memory_space<vmem>>, vector<16xi32>,
      }
      %scan3A_89 = arith.constant 256 : i32
      %dma_start3A_90 = arith.constant 0 : i32
      %dma_start3A_91 = tpu.memref_slice %arg5[%dma_start3A_90] : memref<4194304xi32, #tpu.memory_space<hbm>> -> memref<4194304xi32, #tpu.memory_space<hbm>>
      tpu.enqueue_indirect_dma source(%dma_start3A_91 : memref<4194304xi32, #tpu.memory_space<hbm>>) target(%arg27 : memref<4096xi32, #tpu.memory_space<vmem>>) offsets(%arg19 : memref<4096xi32, #tpu.memory_space<vmem>>) semaphore(%arg37 : memref<!tpu.dma_semaphore, #tpu.memory_space<semaphore_mem>>)
      %dma_start3A_92 = arith.constant 0 : i32
      %dma_start3A_93 = tpu.memref_slice %arg5[%dma_start3A_92] : memref<4194304xi32, #tpu.memory_space<hbm>> -> memref<4194304xi32, #tpu.memory_space<hbm>>
      tpu.enqueue_indirect_dma source(%dma_start3A_93 : memref<4194304xi32, #tpu.memory_space<hbm>>) target(%arg28 : memref<4096xi32, #tpu.memory_space<vmem>>) offsets(%arg20 : memref<4096xi32, #tpu.memory_space<vmem>>) semaphore(%arg37 : memref<!tpu.dma_semaphore, #tpu.memory_space<semaphore_mem>>)
      %dma_start3A_94 = arith.constant 0 : i32
      %dma_start3A_95 = tpu.memref_slice %arg5[%dma_start3A_94] : memref<4194304xi32, #tpu.memory_space<hbm>> -> memref<4194304xi32, #tpu.memory_space<hbm>>
      tpu.enqueue_indirect_dma source(%dma_start3A_95 : memref<4194304xi32, #tpu.memory_space<hbm>>) target(%arg29 : memref<4096xi32, #tpu.memory_space<vmem>>) offsets(%arg21 : memref<4096xi32, #tpu.memory_space<vmem>>) semaphore(%arg37 : memref<!tpu.dma_semaphore, #tpu.memory_space<semaphore_mem>>)
      %dma_start3A_96 = arith.constant 0 : i32
      %dma_start3A_97 = tpu.memref_slice %arg5[%dma_start3A_96] : memref<4194304xi32, #tpu.memory_space<hbm>> -> memref<4194304xi32, #tpu.memory_space<hbm>>
      tpu.enqueue_indirect_dma source(%dma_start3A_97 : memref<4194304xi32, #tpu.memory_space<hbm>>) target(%arg30 : memref<4096xi32, #tpu.memory_space<vmem>>) offsets(%arg22 : memref<4096xi32, #tpu.memory_space<vmem>>) semaphore(%arg37 : memref<!tpu.dma_semaphore, #tpu.memory_space<semaphore_mem>>)
      %gt3A = arith.constant 0 : i32
      %gt3A_98 = arith.cmpi sgt, %scan3A_52, %gt3A : i32
      %convert_element_type3A = arith.extui %gt3A_98 : i1 to i32
      %cond3A = arith.constant 0 : i32
      %cond3A_99 = arith.cmpi ne, %convert_element_type3A, %cond3A : i32
      scf.if %cond3A_99 {
        %dma_wait3A_164 = arith.constant 0 : i32
        %dma_wait3A_165 = tpu.memref_slice %arg5[%dma_wait3A_164] : memref<4194304xi32, #tpu.memory_space<hbm>> -> memref<4194304xi32, #tpu.memory_space<hbm>>
        tpu.wait_indirect_dma semaphore(%arg38 : memref<!tpu.dma_semaphore, #tpu.memory_space<semaphore_mem>>) src(%dma_wait3A_165 : memref<4194304xi32, #tpu.memory_space<hbm>>) dst(%arg31 : memref<4096xi32, #tpu.memory_space<vmem>>)
        %dma_wait3A_166 = arith.constant 0 : i32
        %dma_wait3A_167 = tpu.memref_slice %arg5[%dma_wait3A_166] : memref<4194304xi32, #tpu.memory_space<hbm>> -> memref<4194304xi32, #tpu.memory_space<hbm>>
        tpu.wait_indirect_dma semaphore(%arg38 : memref<!tpu.dma_semaphore, #tpu.memory_space<semaphore_mem>>) src(%dma_wait3A_167 : memref<4194304xi32, #tpu.memory_space<hbm>>) dst(%arg32 : memref<4096xi32, #tpu.memory_space<vmem>>)
        %dma_wait3A_168 = arith.constant 0 : i32
        %dma_wait3A_169 = tpu.memref_slice %arg5[%dma_wait3A_168] : memref<4194304xi32, #tpu.memory_space<hbm>> -> memref<4194304xi32, #tpu.memory_space<hbm>>
        tpu.wait_indirect_dma semaphore(%arg38 : memref<!tpu.dma_semaphore, #tpu.memory_space<semaphore_mem>>) src(%dma_wait3A_169 : memref<4194304xi32, #tpu.memory_space<hbm>>) dst(%arg33 : memref<4096xi32, #tpu.memory_space<vmem>>)
        %dma_wait3A_170 = arith.constant 0 : i32
        %dma_wait3A_171 = tpu.memref_slice %arg5[%dma_wait3A_170] : memref<4194304xi32, #tpu.memory_space<hbm>> -> memref<4194304xi32, #tpu.memory_space<hbm>>
        tpu.wait_indirect_dma semaphore(%arg38 : memref<!tpu.dma_semaphore, #tpu.memory_space<semaphore_mem>>) src(%dma_wait3A_171 : memref<4194304xi32, #tpu.memory_space<hbm>>) dst(%arg34 : memref<4096xi32, #tpu.memory_space<vmem>>)
        %gt3A_172 = arith.constant 1 : i32
        %gt3A_173 = arith.cmpi sgt, %scan3A_52, %gt3A_172 : i32
        %convert_element_type3A_174 = arith.extui %gt3A_173 : i1 to i32
        %cond3A_175 = arith.constant 0 : i32
        %cond3A_176 = arith.cmpi ne, %convert_element_type3A_174, %cond3A_175 : i32
        scf.if %cond3A_176 {
          %mul3A_191 = arith.constant 2 : i32
          %mul3A_192 = arith.muli %mul3A_191, %scan3A_52 : i32
          %sub3A_193 = arith.constant 3 : i32
          %sub3A_194 = arith.subi %mul3A_192, %sub3A_193 : i32
          %mul3A_195 = arith.constant 131072 : i32
          %mul3A_196 = arith.muli %add3A, %mul3A_195 : i32
          %mul3A_197 = arith.constant 4096 : i32
          %mul3A_198 = arith.muli %sub3A_194, %mul3A_197 : i32
          %add3A_199 = arith.addi %mul3A_196, %mul3A_198 : i32
          %dma_wait3A_200 = tpu.memref_slice %arg6[%add3A_199] : memref<4194304xf32, #tpu.memory_space<hbm>> -> memref<4096xf32, #tpu.memory_space<hbm>>
          %dma_wait3A_201 = tpu.memref_slice %arg6[%add3A_199] : memref<4194304xf32, #tpu.memory_space<hbm>> -> memref<4096xf32, #tpu.memory_space<hbm>>
          tpu.wait_dma2 semaphore(%arg42 : memref<!tpu.dma_semaphore, #tpu.memory_space<semaphore_mem>>) src(%arg36 : memref<4096xf32, #tpu.memory_space<vmem>>) dst(%dma_wait3A_201 : memref<4096xf32, #tpu.memory_space<hbm>>)
        } else {
        }
        %scan3A_177 = arith.constant 0 : i32
        %scan3A_178 = arith.constant 0 : i32
        %scan3A_179 = arith.constant 256 : i32
        %scan3A_180 = arith.addi %scan3A_178, %scan3A_179 : i32
        %scan3A_181 = arith.constant 1 : i32
        scf.for %scan3A_191 = %scan3A_178 to %scan3A_180 step %scan3A_181  : i32 {
          %mul3A_192 = arith.constant 16 : i32
          %mul3A_193 = arith.muli %scan3A_191, %mul3A_192 : i32
          %get3A = arith.index_cast %mul3A_193 : i32 to index
          %get3A_194 = tpu.vector_load %arg16[%get3A] {strides = array<i32>} : memref<4096xf32, #tpu.memory_space<vmem>>, vector<16xf32>,
          %get3A_195 = arith.index_cast %mul3A_193 : i32 to index
          %get3A_196 = tpu.vector_load %arg17[%get3A_195] {strides = array<i32>} : memref<4096xf32, #tpu.memory_space<vmem>>, vector<16xf32>,
          %get3A_197 = arith.index_cast %mul3A_193 : i32 to index
          %get3A_198 = tpu.vector_load %arg18[%get3A_197] {strides = array<i32>} : memref<4096xf32, #tpu.memory_space<vmem>>, vector<16xf32>,
          %get3A_199 = arith.index_cast %mul3A_193 : i32 to index
          %get3A_200 = tpu.vector_load %arg31[%get3A_199] {strides = array<i32>} : memref<4096xi32, #tpu.memory_space<vmem>>, vector<16xi32>,
          %and3A = arith.constant -65536 : i32
          %and3A_201 = vector.broadcast %and3A : i32 to vector<16xi32>
          %and3A_202 = arith.andi %get3A_200, %and3A_201 : vector<16xi32>
          %bitcast_convert_type3A = tpu.bitcast %and3A_202 : vector<16xi32> -> vector<16xf32>
          %shift_left3A = arith.constant 16 : i32
          %shift_left3A_203 = vector.broadcast %shift_left3A : i32 to vector<16xi32>
          %shift_left3A_204 = arith.shli %get3A_200, %shift_left3A_203 : vector<16xi32>
          %bitcast_convert_type3A_205 = tpu.bitcast %shift_left3A_204 : vector<16xi32> -> vector<16xf32>
          %sub3A_206 = arith.subf %bitcast_convert_type3A_205, %bitcast_convert_type3A : vector<16xf32>
          %mul3A_207 = arith.mulf %sub3A_206, %get3A_198 : vector<16xf32>
          %add3A_208 = arith.addf %bitcast_convert_type3A, %mul3A_207 : vector<16xf32>
          %get3A_209 = arith.index_cast %mul3A_193 : i32 to index
          %get3A_210 = tpu.vector_load %arg32[%get3A_209] {strides = array<i32>} : memref<4096xi32, #tpu.memory_space<vmem>>, vector<16xi32>,
          %and3A_211 = arith.constant -65536 : i32
          %and3A_212 = vector.broadcast %and3A_211 : i32 to vector<16xi32>
          %and3A_213 = arith.andi %get3A_210, %and3A_212 : vector<16xi32>
          %bitcast_convert_type3A_214 = tpu.bitcast %and3A_213 : vector<16xi32> -> vector<16xf32>
          %shift_left3A_215 = arith.constant 16 : i32
          %shift_left3A_216 = vector.broadcast %shift_left3A_215 : i32 to vector<16xi32>
          %shift_left3A_217 = arith.shli %get3A_210, %shift_left3A_216 : vector<16xi32>
          %bitcast_convert_type3A_218 = tpu.bitcast %shift_left3A_217 : vector<16xi32> -> vector<16xf32>
          %sub3A_219 = arith.subf %bitcast_convert_type3A_218, %bitcast_convert_type3A_214 : vector<16xf32>
          %mul3A_220 = arith.mulf %sub3A_219, %get3A_198 : vector<16xf32>
          %add3A_221 = arith.addf %bitcast_convert_type3A_214, %mul3A_220 : vector<16xf32>
          %get3A_222 = arith.index_cast %mul3A_193 : i32 to index
          %get3A_223 = tpu.vector_load %arg33[%get3A_222] {strides = array<i32>} : memref<4096xi32, #tpu.memory_space<vmem>>, vector<16xi32>,
          %and3A_224 = arith.constant -65536 : i32
          %and3A_225 = vector.broadcast %and3A_224 : i32 to vector<16xi32>
          %and3A_226 = arith.andi %get3A_223, %and3A_225 : vector<16xi32>
          %bitcast_convert_type3A_227 = tpu.bitcast %and3A_226 : vector<16xi32> -> vector<16xf32>
          %shift_left3A_228 = arith.constant 16 : i32
          %shift_left3A_229 = vector.broadcast %shift_left3A_228 : i32 to vector<16xi32>
          %shift_left3A_230 = arith.shli %get3A_223, %shift_left3A_229 : vector<16xi32>
          %bitcast_convert_type3A_231 = tpu.bitcast %shift_left3A_230 : vector<16xi32> -> vector<16xf32>
          %sub3A_232 = arith.subf %bitcast_convert_type3A_231, %bitcast_convert_type3A_227 : vector<16xf32>
          %mul3A_233 = arith.mulf %sub3A_232, %get3A_198 : vector<16xf32>
          %add3A_234 = arith.addf %bitcast_convert_type3A_227, %mul3A_233 : vector<16xf32>
          %get3A_235 = arith.index_cast %mul3A_193 : i32 to index
          %get3A_236 = tpu.vector_load %arg34[%get3A_235] {strides = array<i32>} : memref<4096xi32, #tpu.memory_space<vmem>>, vector<16xi32>,
          %and3A_237 = arith.constant -65536 : i32
          %and3A_238 = vector.broadcast %and3A_237 : i32 to vector<16xi32>
          %and3A_239 = arith.andi %get3A_236, %and3A_238 : vector<16xi32>
          %bitcast_convert_type3A_240 = tpu.bitcast %and3A_239 : vector<16xi32> -> vector<16xf32>
          %shift_left3A_241 = arith.constant 16 : i32
          %shift_left3A_242 = vector.broadcast %shift_left3A_241 : i32 to vector<16xi32>
          %shift_left3A_243 = arith.shli %get3A_236, %shift_left3A_242 : vector<16xi32>
          %bitcast_convert_type3A_244 = tpu.bitcast %shift_left3A_243 : vector<16xi32> -> vector<16xf32>
          %sub3A_245 = arith.subf %bitcast_convert_type3A_244, %bitcast_convert_type3A_240 : vector<16xf32>
          %mul3A_246 = arith.mulf %sub3A_245, %get3A_198 : vector<16xf32>
          %add3A_247 = arith.addf %bitcast_convert_type3A_240, %mul3A_246 : vector<16xf32>
          %sub3A_248 = arith.subf %add3A_221, %add3A_208 : vector<16xf32>
          %mul3A_249 = arith.mulf %sub3A_248, %get3A_196 : vector<16xf32>
          %add3A_250 = arith.addf %add3A_208, %mul3A_249 : vector<16xf32>
          %sub3A_251 = arith.subf %add3A_247, %add3A_234 : vector<16xf32>
          %mul3A_252 = arith.mulf %sub3A_251, %get3A_196 : vector<16xf32>
          %add3A_253 = arith.addf %add3A_234, %mul3A_252 : vector<16xf32>
          %sub3A_254 = arith.subf %add3A_253, %add3A_250 : vector<16xf32>
          %mul3A_255 = arith.mulf %sub3A_254, %get3A_194 : vector<16xf32>
          %add3A_256 = arith.addf %add3A_250, %mul3A_255 : vector<16xf32>
          %swap3A = arith.index_cast %mul3A_193 : i32 to index
          %swap3A_257 = tpu.vector_load %arg36[%swap3A] {strides = array<i32>} : memref<4096xf32, #tpu.memory_space<vmem>>, vector<16xf32>,
          tpu.vector_store %arg36[%swap3A], %add3A_256 {strides = array<i32>} : memref<4096xf32, #tpu.memory_space<vmem>>, vector<16xf32>,
        }
        %scan3A_182 = arith.constant 256 : i32
        %sub3A = arith.constant 1 : i32
        %sub3A_183 = arith.subi %mul3A_54, %sub3A : i32
        %mul3A_184 = arith.constant 131072 : i32
        %mul3A_185 = arith.muli %add3A, %mul3A_184 : i32
        %mul3A_186 = arith.constant 4096 : i32
        %mul3A_187 = arith.muli %sub3A_183, %mul3A_186 : i32
        %add3A_188 = arith.addi %mul3A_185, %mul3A_187 : i32
        %dma_start3A_189 = tpu.memref_slice %arg6[%add3A_188] : memref<4194304xf32, #tpu.memory_space<hbm>> -> memref<4096xf32, #tpu.memory_space<hbm>>
        %dma_start3A_190 = tpu.memref_slice %arg6[%add3A_188] : memref<4194304xf32, #tpu.memory_space<hbm>> -> memref<4096xf32, #tpu.memory_space<hbm>>
        tpu.enqueue_dma source(%arg36 : memref<4096xf32, #tpu.memory_space<vmem>>) target(%dma_start3A_190 : memref<4096xf32, #tpu.memory_space<hbm>>) target_semaphore(%arg42 : memref<!tpu.dma_semaphore, #tpu.memory_space<semaphore_mem>>)
      } else {
      }
      %add3A_100 = arith.constant 1 : i32
      %add3A_101 = arith.addi %mul3A_54, %add3A_100 : i32
      %mul3A_102 = arith.constant 131072 : i32
      %mul3A_103 = arith.muli %add3A, %mul3A_102 : i32
      %mul3A_104 = arith.constant 4096 : i32
      %mul3A_105 = arith.muli %add3A_101, %mul3A_104 : i32
      %add3A_106 = arith.addi %mul3A_103, %mul3A_105 : i32
      %dma_wait3A_107 = tpu.memref_slice %arg2[%add3A_106] : memref<4194304xf32, #tpu.memory_space<hbm>> -> memref<4096xf32, #tpu.memory_space<hbm>>
      %dma_wait3A_108 = tpu.memref_slice %arg2[%add3A_106] : memref<4194304xf32, #tpu.memory_space<hbm>> -> memref<4096xf32, #tpu.memory_space<hbm>>
      tpu.wait_dma2 semaphore(%arg40 : memref<!tpu.dma_semaphore, #tpu.memory_space<semaphore_mem>>) src(%dma_wait3A_108 : memref<4096xf32, #tpu.memory_space<hbm>>) dst(%arg10 : memref<4096xf32, #tpu.memory_space<vmem>>)
      %dma_wait3A_109 = tpu.memref_slice %arg3[%add3A_106] : memref<4194304xf32, #tpu.memory_space<hbm>> -> memref<4096xf32, #tpu.memory_space<hbm>>
      %dma_wait3A_110 = tpu.memref_slice %arg3[%add3A_106] : memref<4194304xf32, #tpu.memory_space<hbm>> -> memref<4096xf32, #tpu.memory_space<hbm>>
      tpu.wait_dma2 semaphore(%arg40 : memref<!tpu.dma_semaphore, #tpu.memory_space<semaphore_mem>>) src(%dma_wait3A_110 : memref<4096xf32, #tpu.memory_space<hbm>>) dst(%arg11 : memref<4096xf32, #tpu.memory_space<vmem>>)
      %dma_wait3A_111 = tpu.memref_slice %arg4[%add3A_106] : memref<4194304xf32, #tpu.memory_space<hbm>> -> memref<4096xf32, #tpu.memory_space<hbm>>
      %dma_wait3A_112 = tpu.memref_slice %arg4[%add3A_106] : memref<4194304xf32, #tpu.memory_space<hbm>> -> memref<4096xf32, #tpu.memory_space<hbm>>
      tpu.wait_dma2 semaphore(%arg40 : memref<!tpu.dma_semaphore, #tpu.memory_space<semaphore_mem>>) src(%dma_wait3A_112 : memref<4096xf32, #tpu.memory_space<hbm>>) dst(%arg12 : memref<4096xf32, #tpu.memory_space<vmem>>)
      %lt3A = arith.constant 15 : i32
      %lt3A_113 = arith.cmpi slt, %scan3A_52, %lt3A : i32
      %convert_element_type3A_114 = arith.extui %lt3A_113 : i1 to i32
      %cond3A_115 = arith.constant 0 : i32
      %cond3A_116 = arith.cmpi ne, %convert_element_type3A_114, %cond3A_115 : i32
      scf.if %cond3A_116 {
        %add3A_164 = arith.constant 2 : i32
        %add3A_165 = arith.addi %mul3A_54, %add3A_164 : i32
        %mul3A_166 = arith.constant 131072 : i32
        %mul3A_167 = arith.muli %add3A, %mul3A_166 : i32
        %mul3A_168 = arith.constant 4096 : i32
        %mul3A_169 = arith.muli %add3A_165, %mul3A_168 : i32
        %add3A_170 = arith.addi %mul3A_167, %mul3A_169 : i32
        %dma_start3A_171 = tpu.memref_slice %arg2[%add3A_170] : memref<4194304xf32, #tpu.memory_space<hbm>> -> memref<4096xf32, #tpu.memory_space<hbm>>
        %dma_start3A_172 = tpu.memref_slice %arg2[%add3A_170] : memref<4194304xf32, #tpu.memory_space<hbm>> -> memref<4096xf32, #tpu.memory_space<hbm>>
        tpu.enqueue_dma source(%dma_start3A_172 : memref<4096xf32, #tpu.memory_space<hbm>>) target(%arg7 : memref<4096xf32, #tpu.memory_space<vmem>>) target_semaphore(%arg39 : memref<!tpu.dma_semaphore, #tpu.memory_space<semaphore_mem>>)
        %dma_start3A_173 = tpu.memref_slice %arg3[%add3A_170] : memref<4194304xf32, #tpu.memory_space<hbm>> -> memref<4096xf32, #tpu.memory_space<hbm>>
        %dma_start3A_174 = tpu.memref_slice %arg3[%add3A_170] : memref<4194304xf32, #tpu.memory_space<hbm>> -> memref<4096xf32, #tpu.memory_space<hbm>>
        tpu.enqueue_dma source(%dma_start3A_174 : memref<4096xf32, #tpu.memory_space<hbm>>) target(%arg8 : memref<4096xf32, #tpu.memory_space<vmem>>) target_semaphore(%arg39 : memref<!tpu.dma_semaphore, #tpu.memory_space<semaphore_mem>>)
        %dma_start3A_175 = tpu.memref_slice %arg4[%add3A_170] : memref<4194304xf32, #tpu.memory_space<hbm>> -> memref<4096xf32, #tpu.memory_space<hbm>>
        %dma_start3A_176 = tpu.memref_slice %arg4[%add3A_170] : memref<4194304xf32, #tpu.memory_space<hbm>> -> memref<4096xf32, #tpu.memory_space<hbm>>
        tpu.enqueue_dma source(%dma_start3A_176 : memref<4096xf32, #tpu.memory_space<hbm>>) target(%arg9 : memref<4096xf32, #tpu.memory_space<vmem>>) target_semaphore(%arg39 : memref<!tpu.dma_semaphore, #tpu.memory_space<semaphore_mem>>)
      } else {
      }
      %add3A_117 = arith.constant 1 : i32
      %add3A_118 = arith.addi %mul3A_54, %add3A_117 : i32
      %mul3A_119 = arith.constant 131072 : i32
      %mul3A_120 = arith.muli %add3A, %mul3A_119 : i32
      %mul3A_121 = arith.constant 4096 : i32
      %mul3A_122 = arith.muli %add3A_118, %mul3A_121 : i32
      %add3A_123 = arith.addi %mul3A_120, %mul3A_122 : i32
      %scan3A_124 = arith.constant 0 : i32
      %scan3A_125 = arith.constant 0 : i32
      %scan3A_126 = arith.constant 256 : i32
      %scan3A_127 = arith.addi %scan3A_125, %scan3A_126 : i32
      %scan3A_128 = arith.constant 1 : i32
      scf.for %scan3A_164 = %scan3A_125 to %scan3A_127 step %scan3A_128  : i32 {
        %mul3A_165 = arith.constant 16 : i32
        %mul3A_166 = arith.muli %scan3A_164, %mul3A_165 : i32
        %add3A_167 = arith.addi %add3A_123, %mul3A_166 : i32
        %add3A_168 = vector.broadcast %add3A_167 : i32 to vector<16xi32>
        %add3A_169 = arith.addi %add3A_168, %iota3A : vector<16xi32>
        %and3A = arith.constant 127 : i32
        %and3A_170 = vector.broadcast %and3A : i32 to vector<16xi32>
        %and3A_171 = arith.andi %add3A_169, %and3A_170 : vector<16xi32>
        %shift_right_arithmetic3A = arith.constant 7 : i32
        %shift_right_arithmetic3A_172 = vector.broadcast %shift_right_arithmetic3A : i32 to vector<16xi32>
        %shift_right_arithmetic3A_173 = arith.shrsi %add3A_169, %shift_right_arithmetic3A_172 : vector<16xi32>
        %and3A_174 = arith.constant 127 : i32
        %and3A_175 = vector.broadcast %and3A_174 : i32 to vector<16xi32>
        %and3A_176 = arith.andi %shift_right_arithmetic3A_173, %and3A_175 : vector<16xi32>
        %shift_right_arithmetic3A_177 = arith.constant 14 : i32
        %shift_right_arithmetic3A_178 = vector.broadcast %shift_right_arithmetic3A_177 : i32 to vector<16xi32>
        %shift_right_arithmetic3A_179 = arith.shrsi %add3A_169, %shift_right_arithmetic3A_178 : vector<16xi32>
        %and3A_180 = arith.constant 127 : i32
        %and3A_181 = vector.broadcast %and3A_180 : i32 to vector<16xi32>
        %and3A_182 = arith.andi %shift_right_arithmetic3A_179, %and3A_181 : vector<16xi32>
        %shift_right_arithmetic3A_183 = arith.constant 21 : i32
        %shift_right_arithmetic3A_184 = vector.broadcast %shift_right_arithmetic3A_183 : i32 to vector<16xi32>
        %shift_right_arithmetic3A_185 = arith.shrsi %add3A_169, %shift_right_arithmetic3A_184 : vector<16xi32>
        %convert_element_type3A_186 = arith.sitofp %and3A_182 : vector<16xi32> to vector<16xf32>
        %get3A = arith.index_cast %mul3A_166 : i32 to index
        %get3A_187 = tpu.vector_load %arg10[%get3A] {strides = array<i32>} : memref<4096xf32, #tpu.memory_space<vmem>>, vector<16xf32>,
        %add3A_188 = arith.addf %convert_element_type3A_186, %get3A_187 : vector<16xf32>
        %jit3A = arith.constant 0.000000e+00 : f32
        %jit3A_189 = arith.constant 1.270000e+02 : f32
        %max3A = vector.broadcast %jit3A : f32 to vector<16xf32>
        %max3A_190 = arith.maximumf %max3A, %add3A_188 : vector<16xf32>
        %min3A = vector.broadcast %jit3A_189 : f32 to vector<16xf32>
        %min3A_191 = arith.minimumf %min3A, %max3A_190 : vector<16xf32>
        %convert_element_type3A_192 = arith.sitofp %and3A_176 : vector<16xi32> to vector<16xf32>
        %get3A_193 = arith.index_cast %mul3A_166 : i32 to index
        %get3A_194 = tpu.vector_load %arg11[%get3A_193] {strides = array<i32>} : memref<4096xf32, #tpu.memory_space<vmem>>, vector<16xf32>,
        %add3A_195 = arith.addf %convert_element_type3A_192, %get3A_194 : vector<16xf32>
        %jit3A_196 = arith.constant 0.000000e+00 : f32
        %jit3A_197 = arith.constant 1.270000e+02 : f32
        %max3A_198 = vector.broadcast %jit3A_196 : f32 to vector<16xf32>
        %max3A_199 = arith.maximumf %max3A_198, %add3A_195 : vector<16xf32>
        %min3A_200 = vector.broadcast %jit3A_197 : f32 to vector<16xf32>
        %min3A_201 = arith.minimumf %min3A_200, %max3A_199 : vector<16xf32>
        %convert_element_type3A_202 = arith.sitofp %and3A_171 : vector<16xi32> to vector<16xf32>
        %get3A_203 = arith.index_cast %mul3A_166 : i32 to index
        %get3A_204 = tpu.vector_load %arg12[%get3A_203] {strides = array<i32>} : memref<4096xf32, #tpu.memory_space<vmem>>, vector<16xf32>,
        %add3A_205 = arith.addf %convert_element_type3A_202, %get3A_204 : vector<16xf32>
        %jit3A_206 = arith.constant 0.000000e+00 : f32
        %jit3A_207 = arith.constant 1.270000e+02 : f32
        %max3A_208 = vector.broadcast %jit3A_206 : f32 to vector<16xf32>
        %max3A_209 = arith.maximumf %max3A_208, %add3A_205 : vector<16xf32>
        %min3A_210 = vector.broadcast %jit3A_207 : f32 to vector<16xf32>
        %min3A_211 = arith.minimumf %min3A_210, %max3A_209 : vector<16xf32>
        %convert_element_type3A_212 = arith.fptosi %min3A_191 : vector<16xf32> to vector<16xi32>
        %convert_element_type3A_213 = arith.fptosi %min3A_201 : vector<16xf32> to vector<16xi32>
        %convert_element_type3A_214 = arith.fptosi %min3A_211 : vector<16xf32> to vector<16xi32>
        %convert_element_type3A_215 = arith.sitofp %convert_element_type3A_212 : vector<16xi32> to vector<16xf32>
        %sub3A = arith.subf %min3A_191, %convert_element_type3A_215 : vector<16xf32>
        %swap3A = arith.index_cast %mul3A_166 : i32 to index
        %swap3A_216 = tpu.vector_load %arg16[%swap3A] {strides = array<i32>} : memref<4096xf32, #tpu.memory_space<vmem>>, vector<16xf32>,
        tpu.vector_store %arg16[%swap3A], %sub3A {strides = array<i32>} : memref<4096xf32, #tpu.memory_space<vmem>>, vector<16xf32>,
        %convert_element_type3A_217 = arith.sitofp %convert_element_type3A_213 : vector<16xi32> to vector<16xf32>
        %sub3A_218 = arith.subf %min3A_201, %convert_element_type3A_217 : vector<16xf32>
        %swap3A_219 = arith.index_cast %mul3A_166 : i32 to index
        %swap3A_220 = tpu.vector_load %arg17[%swap3A_219] {strides = array<i32>} : memref<4096xf32, #tpu.memory_space<vmem>>, vector<16xf32>,
        tpu.vector_store %arg17[%swap3A_219], %sub3A_218 {strides = array<i32>} : memref<4096xf32, #tpu.memory_space<vmem>>, vector<16xf32>,
        %convert_element_type3A_221 = arith.sitofp %convert_element_type3A_214 : vector<16xi32> to vector<16xf32>
        %sub3A_222 = arith.subf %min3A_211, %convert_element_type3A_221 : vector<16xf32>
        %swap3A_223 = arith.index_cast %mul3A_166 : i32 to index
        %swap3A_224 = tpu.vector_load %arg18[%swap3A_223] {strides = array<i32>} : memref<4096xf32, #tpu.memory_space<vmem>>, vector<16xf32>,
        tpu.vector_store %arg18[%swap3A_223], %sub3A_222 {strides = array<i32>} : memref<4096xf32, #tpu.memory_space<vmem>>, vector<16xf32>,
        %add3A_225 = arith.constant 1 : i32
        %add3A_226 = vector.broadcast %add3A_225 : i32 to vector<16xi32>
        %add3A_227 = arith.addi %convert_element_type3A_212, %add3A_226 : vector<16xi32>
        %min3A_228 = arith.constant 127 : i32
        %min3A_229 = vector.broadcast %min3A_228 : i32 to vector<16xi32>
        %min3A_230 = arith.minsi %add3A_227, %min3A_229 : vector<16xi32>
        %add3A_231 = arith.constant 1 : i32
        %add3A_232 = vector.broadcast %add3A_231 : i32 to vector<16xi32>
        %add3A_233 = arith.addi %convert_element_type3A_213, %add3A_232 : vector<16xi32>
        %min3A_234 = arith.constant 127 : i32
        %min3A_235 = vector.broadcast %min3A_234 : i32 to vector<16xi32>
        %min3A_236 = arith.minsi %add3A_233, %min3A_235 : vector<16xi32>
        %shift_left3A = arith.constant 7 : i32
        %shift_left3A_237 = vector.broadcast %shift_left3A : i32 to vector<16xi32>
        %shift_left3A_238 = arith.shli %shift_right_arithmetic3A_185, %shift_left3A_237 : vector<16xi32>
        %add3A_239 = arith.addi %shift_left3A_238, %convert_element_type3A_212 : vector<16xi32>
        %shift_left3A_240 = arith.constant 7 : i32
        %shift_left3A_241 = vector.broadcast %shift_left3A_240 : i32 to vector<16xi32>
        %shift_left3A_242 = arith.shli %shift_right_arithmetic3A_185, %shift_left3A_241 : vector<16xi32>
        %add3A_243 = arith.addi %shift_left3A_242, %min3A_230 : vector<16xi32>
        %shift_left3A_244 = arith.constant 7 : i32
        %shift_left3A_245 = vector.broadcast %shift_left3A_244 : i32 to vector<16xi32>
        %shift_left3A_246 = arith.shli %add3A_239, %shift_left3A_245 : vector<16xi32>
        %add3A_247 = arith.addi %shift_left3A_246, %convert_element_type3A_213 : vector<16xi32>
        %shift_left3A_248 = arith.constant 7 : i32
        %shift_left3A_249 = vector.broadcast %shift_left3A_248 : i32 to vector<16xi32>
        %shift_left3A_250 = arith.shli %add3A_247, %shift_left3A_249 : vector<16xi32>
        %add3A_251 = arith.addi %shift_left3A_250, %convert_element_type3A_214 : vector<16xi32>
        %swap3A_252 = arith.index_cast %mul3A_166 : i32 to index
        %swap3A_253 = tpu.vector_load %arg23[%swap3A_252] {strides = array<i32>} : memref<4096xi32, #tpu.memory_space<vmem>>, vector<16xi32>,
        tpu.vector_store %arg23[%swap3A_252], %add3A_251 {strides = array<i32>} : memref<4096xi32, #tpu.memory_space<vmem>>, vector<16xi32>,
        %shift_left3A_254 = arith.constant 7 : i32
        %shift_left3A_255 = vector.broadcast %shift_left3A_254 : i32 to vector<16xi32>
        %shift_left3A_256 = arith.shli %add3A_239, %shift_left3A_255 : vector<16xi32>
        %add3A_257 = arith.addi %shift_left3A_256, %min3A_236 : vector<16xi32>
        %shift_left3A_258 = arith.constant 7 : i32
        %shift_left3A_259 = vector.broadcast %shift_left3A_258 : i32 to vector<16xi32>
        %shift_left3A_260 = arith.shli %add3A_257, %shift_left3A_259 : vector<16xi32>
        %add3A_261 = arith.addi %shift_left3A_260, %convert_element_type3A_214 : vector<16xi32>
        %swap3A_262 = arith.index_cast %mul3A_166 : i32 to index
        %swap3A_263 = tpu.vector_load %arg24[%swap3A_262] {strides = array<i32>} : memref<4096xi32, #tpu.memory_space<vmem>>, vector<16xi32>,
        tpu.vector_store %arg24[%swap3A_262], %add3A_261 {strides = array<i32>} : memref<4096xi32, #tpu.memory_space<vmem>>, vector<16xi32>,
        %shift_left3A_264 = arith.constant 7 : i32
        %shift_left3A_265 = vector.broadcast %shift_left3A_264 : i32 to vector<16xi32>
        %shift_left3A_266 = arith.shli %add3A_243, %shift_left3A_265 : vector<16xi32>
        %add3A_267 = arith.addi %shift_left3A_266, %convert_element_type3A_213 : vector<16xi32>
        %shift_left3A_268 = arith.constant 7 : i32
        %shift_left3A_269 = vector.broadcast %shift_left3A_268 : i32 to vector<16xi32>
        %shift_left3A_270 = arith.shli %add3A_267, %shift_left3A_269 : vector<16xi32>
        %add3A_271 = arith.addi %shift_left3A_270, %convert_element_type3A_214 : vector<16xi32>
        %swap3A_272 = arith.index_cast %mul3A_166 : i32 to index
        %swap3A_273 = tpu.vector_load %arg25[%swap3A_272] {strides = array<i32>} : memref<4096xi32, #tpu.memory_space<vmem>>, vector<16xi32>,
        tpu.vector_store %arg25[%swap3A_272], %add3A_271 {strides = array<i32>} : memref<4096xi32, #tpu.memory_space<vmem>>, vector<16xi32>,
        %shift_left3A_274 = arith.constant 7 : i32
        %shift_left3A_275 = vector.broadcast %shift_left3A_274 : i32 to vector<16xi32>
        %shift_left3A_276 = arith.shli %add3A_243, %shift_left3A_275 : vector<16xi32>
        %add3A_277 = arith.addi %shift_left3A_276, %min3A_236 : vector<16xi32>
        %shift_left3A_278 = arith.constant 7 : i32
        %shift_left3A_279 = vector.broadcast %shift_left3A_278 : i32 to vector<16xi32>
        %shift_left3A_280 = arith.shli %add3A_277, %shift_left3A_279 : vector<16xi32>
        %add3A_281 = arith.addi %shift_left3A_280, %convert_element_type3A_214 : vector<16xi32>
        %swap3A_282 = arith.index_cast %mul3A_166 : i32 to index
        %swap3A_283 = tpu.vector_load %arg26[%swap3A_282] {strides = array<i32>} : memref<4096xi32, #tpu.memory_space<vmem>>, vector<16xi32>,
        tpu.vector_store %arg26[%swap3A_282], %add3A_281 {strides = array<i32>} : memref<4096xi32, #tpu.memory_space<vmem>>, vector<16xi32>,
      }
      %scan3A_129 = arith.constant 256 : i32
      %dma_start3A_130 = arith.constant 0 : i32
      %dma_start3A_131 = tpu.memref_slice %arg5[%dma_start3A_130] : memref<4194304xi32, #tpu.memory_space<hbm>> -> memref<4194304xi32, #tpu.memory_space<hbm>>
      tpu.enqueue_indirect_dma source(%dma_start3A_131 : memref<4194304xi32, #tpu.memory_space<hbm>>) target(%arg31 : memref<4096xi32, #tpu.memory_space<vmem>>) offsets(%arg23 : memref<4096xi32, #tpu.memory_space<vmem>>) semaphore(%arg38 : memref<!tpu.dma_semaphore, #tpu.memory_space<semaphore_mem>>)
      %dma_start3A_132 = arith.constant 0 : i32
      %dma_start3A_133 = tpu.memref_slice %arg5[%dma_start3A_132] : memref<4194304xi32, #tpu.memory_space<hbm>> -> memref<4194304xi32, #tpu.memory_space<hbm>>
      tpu.enqueue_indirect_dma source(%dma_start3A_133 : memref<4194304xi32, #tpu.memory_space<hbm>>) target(%arg32 : memref<4096xi32, #tpu.memory_space<vmem>>) offsets(%arg24 : memref<4096xi32, #tpu.memory_space<vmem>>) semaphore(%arg38 : memref<!tpu.dma_semaphore, #tpu.memory_space<semaphore_mem>>)
      %dma_start3A_134 = arith.constant 0 : i32
      %dma_start3A_135 = tpu.memref_slice %arg5[%dma_start3A_134] : memref<4194304xi32, #tpu.memory_space<hbm>> -> memref<4194304xi32, #tpu.memory_space<hbm>>
      tpu.enqueue_indirect_dma source(%dma_start3A_135 : memref<4194304xi32, #tpu.memory_space<hbm>>) target(%arg33 : memref<4096xi32, #tpu.memory_space<vmem>>) offsets(%arg25 : memref<4096xi32, #tpu.memory_space<vmem>>) semaphore(%arg38 : memref<!tpu.dma_semaphore, #tpu.memory_space<semaphore_mem>>)
      %dma_start3A_136 = arith.constant 0 : i32
      %dma_start3A_137 = tpu.memref_slice %arg5[%dma_start3A_136] : memref<4194304xi32, #tpu.memory_space<hbm>> -> memref<4194304xi32, #tpu.memory_space<hbm>>
      tpu.enqueue_indirect_dma source(%dma_start3A_137 : memref<4194304xi32, #tpu.memory_space<hbm>>) target(%arg34 : memref<4096xi32, #tpu.memory_space<vmem>>) offsets(%arg26 : memref<4096xi32, #tpu.memory_space<vmem>>) semaphore(%arg38 : memref<!tpu.dma_semaphore, #tpu.memory_space<semaphore_mem>>)
      %dma_wait3A_138 = arith.constant 0 : i32
      %dma_wait3A_139 = tpu.memref_slice %arg5[%dma_wait3A_138] : memref<4194304xi32, #tpu.memory_space<hbm>> -> memref<4194304xi32, #tpu.memory_space<hbm>>
      tpu.wait_indirect_dma semaphore(%arg37 : memref<!tpu.dma_semaphore, #tpu.memory_space<semaphore_mem>>) src(%dma_wait3A_139 : memref<4194304xi32, #tpu.memory_space<hbm>>) dst(%arg27 : memref<4096xi32, #tpu.memory_space<vmem>>)
      %dma_wait3A_140 = arith.constant 0 : i32
      %dma_wait3A_141 = tpu.memref_slice %arg5[%dma_wait3A_140] : memref<4194304xi32, #tpu.memory_space<hbm>> -> memref<4194304xi32, #tpu.memory_space<hbm>>
      tpu.wait_indirect_dma semaphore(%arg37 : memref<!tpu.dma_semaphore, #tpu.memory_space<semaphore_mem>>) src(%dma_wait3A_141 : memref<4194304xi32, #tpu.memory_space<hbm>>) dst(%arg28 : memref<4096xi32, #tpu.memory_space<vmem>>)
      %dma_wait3A_142 = arith.constant 0 : i32
      %dma_wait3A_143 = tpu.memref_slice %arg5[%dma_wait3A_142] : memref<4194304xi32, #tpu.memory_space<hbm>> -> memref<4194304xi32, #tpu.memory_space<hbm>>
      tpu.wait_indirect_dma semaphore(%arg37 : memref<!tpu.dma_semaphore, #tpu.memory_space<semaphore_mem>>) src(%dma_wait3A_143 : memref<4194304xi32, #tpu.memory_space<hbm>>) dst(%arg29 : memref<4096xi32, #tpu.memory_space<vmem>>)
      %dma_wait3A_144 = arith.constant 0 : i32
      %dma_wait3A_145 = tpu.memref_slice %arg5[%dma_wait3A_144] : memref<4194304xi32, #tpu.memory_space<hbm>> -> memref<4194304xi32, #tpu.memory_space<hbm>>
      tpu.wait_indirect_dma semaphore(%arg37 : memref<!tpu.dma_semaphore, #tpu.memory_space<semaphore_mem>>) src(%dma_wait3A_145 : memref<4194304xi32, #tpu.memory_space<hbm>>) dst(%arg30 : memref<4096xi32, #tpu.memory_space<vmem>>)
      %gt3A_146 = arith.constant 0 : i32
      %gt3A_147 = arith.cmpi sgt, %scan3A_52, %gt3A_146 : i32
      %convert_element_type3A_148 = arith.extui %gt3A_147 : i1 to i32
      %cond3A_149 = arith.constant 0 : i32
      %cond3A_150 = arith.cmpi ne, %convert_element_type3A_148, %cond3A_149 : i32
      scf.if %cond3A_150 {
        %mul3A_164 = arith.constant 2 : i32
        %mul3A_165 = arith.muli %mul3A_164, %scan3A_52 : i32
        %sub3A = arith.constant 2 : i32
        %sub3A_166 = arith.subi %mul3A_165, %sub3A : i32
        %mul3A_167 = arith.constant 131072 : i32
        %mul3A_168 = arith.muli %add3A, %mul3A_167 : i32
        %mul3A_169 = arith.constant 4096 : i32
        %mul3A_170 = arith.muli %sub3A_166, %mul3A_169 : i32
        %add3A_171 = arith.addi %mul3A_168, %mul3A_170 : i32
        %dma_wait3A_172 = tpu.memref_slice %arg6[%add3A_171] : memref<4194304xf32, #tpu.memory_space<hbm>> -> memref<4096xf32, #tpu.memory_space<hbm>>
        %dma_wait3A_173 = tpu.memref_slice %arg6[%add3A_171] : memref<4194304xf32, #tpu.memory_space<hbm>> -> memref<4096xf32, #tpu.memory_space<hbm>>
        tpu.wait_dma2 semaphore(%arg41 : memref<!tpu.dma_semaphore, #tpu.memory_space<semaphore_mem>>) src(%arg35 : memref<4096xf32, #tpu.memory_space<vmem>>) dst(%dma_wait3A_173 : memref<4096xf32, #tpu.memory_space<hbm>>)
      } else {
      }
      %scan3A_151 = arith.constant 0 : i32
      %scan3A_152 = arith.constant 0 : i32
      %scan3A_153 = arith.constant 256 : i32
      %scan3A_154 = arith.addi %scan3A_152, %scan3A_153 : i32
      %scan3A_155 = arith.constant 1 : i32
      scf.for %scan3A_164 = %scan3A_152 to %scan3A_154 step %scan3A_155  : i32 {
        %mul3A_165 = arith.constant 16 : i32
        %mul3A_166 = arith.muli %scan3A_164, %mul3A_165 : i32
        %get3A = arith.index_cast %mul3A_166 : i32 to index
        %get3A_167 = tpu.vector_load %arg13[%get3A] {strides = array<i32>} : memref<4096xf32, #tpu.memory_space<vmem>>, vector<16xf32>,
        %get3A_168 = arith.index_cast %mul3A_166 : i32 to index
        %get3A_169 = tpu.vector_load %arg14[%get3A_168] {strides = array<i32>} : memref<4096xf32, #tpu.memory_space<vmem>>, vector<16xf32>,
        %get3A_170 = arith.index_cast %mul3A_166 : i32 to index
        %get3A_171 = tpu.vector_load %arg15[%get3A_170] {strides = array<i32>} : memref<4096xf32, #tpu.memory_space<vmem>>, vector<16xf32>,
        %get3A_172 = arith.index_cast %mul3A_166 : i32 to index
        %get3A_173 = tpu.vector_load %arg27[%get3A_172] {strides = array<i32>} : memref<4096xi32, #tpu.memory_space<vmem>>, vector<16xi32>,
        %and3A = arith.constant -65536 : i32
        %and3A_174 = vector.broadcast %and3A : i32 to vector<16xi32>
        %and3A_175 = arith.andi %get3A_173, %and3A_174 : vector<16xi32>
        %bitcast_convert_type3A = tpu.bitcast %and3A_175 : vector<16xi32> -> vector<16xf32>
        %shift_left3A = arith.constant 16 : i32
        %shift_left3A_176 = vector.broadcast %shift_left3A : i32 to vector<16xi32>
        %shift_left3A_177 = arith.shli %get3A_173, %shift_left3A_176 : vector<16xi32>
        %bitcast_convert_type3A_178 = tpu.bitcast %shift_left3A_177 : vector<16xi32> -> vector<16xf32>
        %sub3A = arith.subf %bitcast_convert_type3A_178, %bitcast_convert_type3A : vector<16xf32>
        %mul3A_179 = arith.mulf %sub3A, %get3A_171 : vector<16xf32>
        %add3A_180 = arith.addf %bitcast_convert_type3A, %mul3A_179 : vector<16xf32>
        %get3A_181 = arith.index_cast %mul3A_166 : i32 to index
        %get3A_182 = tpu.vector_load %arg28[%get3A_181] {strides = array<i32>} : memref<4096xi32, #tpu.memory_space<vmem>>, vector<16xi32>,
        %and3A_183 = arith.constant -65536 : i32
        %and3A_184 = vector.broadcast %and3A_183 : i32 to vector<16xi32>
        %and3A_185 = arith.andi %get3A_182, %and3A_184 : vector<16xi32>
        %bitcast_convert_type3A_186 = tpu.bitcast %and3A_185 : vector<16xi32> -> vector<16xf32>
        %shift_left3A_187 = arith.constant 16 : i32
        %shift_left3A_188 = vector.broadcast %shift_left3A_187 : i32 to vector<16xi32>
        %shift_left3A_189 = arith.shli %get3A_182, %shift_left3A_188 : vector<16xi32>
        %bitcast_convert_type3A_190 = tpu.bitcast %shift_left3A_189 : vector<16xi32> -> vector<16xf32>
        %sub3A_191 = arith.subf %bitcast_convert_type3A_190, %bitcast_convert_type3A_186 : vector<16xf32>
        %mul3A_192 = arith.mulf %sub3A_191, %get3A_171 : vector<16xf32>
        %add3A_193 = arith.addf %bitcast_convert_type3A_186, %mul3A_192 : vector<16xf32>
        %get3A_194 = arith.index_cast %mul3A_166 : i32 to index
        %get3A_195 = tpu.vector_load %arg29[%get3A_194] {strides = array<i32>} : memref<4096xi32, #tpu.memory_space<vmem>>, vector<16xi32>,
        %and3A_196 = arith.constant -65536 : i32
        %and3A_197 = vector.broadcast %and3A_196 : i32 to vector<16xi32>
        %and3A_198 = arith.andi %get3A_195, %and3A_197 : vector<16xi32>
        %bitcast_convert_type3A_199 = tpu.bitcast %and3A_198 : vector<16xi32> -> vector<16xf32>
        %shift_left3A_200 = arith.constant 16 : i32
        %shift_left3A_201 = vector.broadcast %shift_left3A_200 : i32 to vector<16xi32>
        %shift_left3A_202 = arith.shli %get3A_195, %shift_left3A_201 : vector<16xi32>
        %bitcast_convert_type3A_203 = tpu.bitcast %shift_left3A_202 : vector<16xi32> -> vector<16xf32>
        %sub3A_204 = arith.subf %bitcast_convert_type3A_203, %bitcast_convert_type3A_199 : vector<16xf32>
        %mul3A_205 = arith.mulf %sub3A_204, %get3A_171 : vector<16xf32>
        %add3A_206 = arith.addf %bitcast_convert_type3A_199, %mul3A_205 : vector<16xf32>
        %get3A_207 = arith.index_cast %mul3A_166 : i32 to index
        %get3A_208 = tpu.vector_load %arg30[%get3A_207] {strides = array<i32>} : memref<4096xi32, #tpu.memory_space<vmem>>, vector<16xi32>,
        %and3A_209 = arith.constant -65536 : i32
        %and3A_210 = vector.broadcast %and3A_209 : i32 to vector<16xi32>
        %and3A_211 = arith.andi %get3A_208, %and3A_210 : vector<16xi32>
        %bitcast_convert_type3A_212 = tpu.bitcast %and3A_211 : vector<16xi32> -> vector<16xf32>
        %shift_left3A_213 = arith.constant 16 : i32
        %shift_left3A_214 = vector.broadcast %shift_left3A_213 : i32 to vector<16xi32>
        %shift_left3A_215 = arith.shli %get3A_208, %shift_left3A_214 : vector<16xi32>
        %bitcast_convert_type3A_216 = tpu.bitcast %shift_left3A_215 : vector<16xi32> -> vector<16xf32>
        %sub3A_217 = arith.subf %bitcast_convert_type3A_216, %bitcast_convert_type3A_212 : vector<16xf32>
        %mul3A_218 = arith.mulf %sub3A_217, %get3A_171 : vector<16xf32>
        %add3A_219 = arith.addf %bitcast_convert_type3A_212, %mul3A_218 : vector<16xf32>
        %sub3A_220 = arith.subf %add3A_193, %add3A_180 : vector<16xf32>
        %mul3A_221 = arith.mulf %sub3A_220, %get3A_169 : vector<16xf32>
        %add3A_222 = arith.addf %add3A_180, %mul3A_221 : vector<16xf32>
        %sub3A_223 = arith.subf %add3A_219, %add3A_206 : vector<16xf32>
        %mul3A_224 = arith.mulf %sub3A_223, %get3A_169 : vector<16xf32>
        %add3A_225 = arith.addf %add3A_206, %mul3A_224 : vector<16xf32>
        %sub3A_226 = arith.subf %add3A_225, %add3A_222 : vector<16xf32>
        %mul3A_227 = arith.mulf %sub3A_226, %get3A_167 : vector<16xf32>
        %add3A_228 = arith.addf %add3A_222, %mul3A_227 : vector<16xf32>
        %swap3A = arith.index_cast %mul3A_166 : i32 to index
        %swap3A_229 = tpu.vector_load %arg35[%swap3A] {strides = array<i32>} : memref<4096xf32, #tpu.memory_space<vmem>>, vector<16xf32>,
        tpu.vector_store %arg35[%swap3A], %add3A_228 {strides = array<i32>} : memref<4096xf32, #tpu.memory_space<vmem>>, vector<16xf32>,
      }
      %scan3A_156 = arith.constant 256 : i32
      %mul3A_157 = arith.constant 131072 : i32
      %mul3A_158 = arith.muli %add3A, %mul3A_157 : i32
      %mul3A_159 = arith.constant 4096 : i32
      %mul3A_160 = arith.muli %mul3A_54, %mul3A_159 : i32
      %add3A_161 = arith.addi %mul3A_158, %mul3A_160 : i32
      %dma_start3A_162 = tpu.memref_slice %arg6[%add3A_161] : memref<4194304xf32, #tpu.memory_space<hbm>> -> memref<4096xf32, #tpu.memory_space<hbm>>
      %dma_start3A_163 = tpu.memref_slice %arg6[%add3A_161] : memref<4194304xf32, #tpu.memory_space<hbm>> -> memref<4096xf32, #tpu.memory_space<hbm>>
      tpu.enqueue_dma source(%arg35 : memref<4096xf32, #tpu.memory_space<vmem>>) target(%dma_start3A_163 : memref<4096xf32, #tpu.memory_space<hbm>>) target_semaphore(%arg41 : memref<!tpu.dma_semaphore, #tpu.memory_space<semaphore_mem>>)
    }
    %scan3A_14 = arith.constant 16 : i32
    %dma_wait3A = arith.constant 0 : i32
    %dma_wait3A_15 = tpu.memref_slice %arg5[%dma_wait3A] : memref<4194304xi32, #tpu.memory_space<hbm>> -> memref<4194304xi32, #tpu.memory_space<hbm>>
    tpu.wait_indirect_dma semaphore(%arg38 : memref<!tpu.dma_semaphore, #tpu.memory_space<semaphore_mem>>) src(%dma_wait3A_15 : memref<4194304xi32, #tpu.memory_space<hbm>>) dst(%arg31 : memref<4096xi32, #tpu.memory_space<vmem>>)
    %dma_wait3A_16 = arith.constant 0 : i32
    %dma_wait3A_17 = tpu.memref_slice %arg5[%dma_wait3A_16] : memref<4194304xi32, #tpu.memory_space<hbm>> -> memref<4194304xi32, #tpu.memory_space<hbm>>
    tpu.wait_indirect_dma semaphore(%arg38 : memref<!tpu.dma_semaphore, #tpu.memory_space<semaphore_mem>>) src(%dma_wait3A_17 : memref<4194304xi32, #tpu.memory_space<hbm>>) dst(%arg32 : memref<4096xi32, #tpu.memory_space<vmem>>)
    %dma_wait3A_18 = arith.constant 0 : i32
    %dma_wait3A_19 = tpu.memref_slice %arg5[%dma_wait3A_18] : memref<4194304xi32, #tpu.memory_space<hbm>> -> memref<4194304xi32, #tpu.memory_space<hbm>>
    tpu.wait_indirect_dma semaphore(%arg38 : memref<!tpu.dma_semaphore, #tpu.memory_space<semaphore_mem>>) src(%dma_wait3A_19 : memref<4194304xi32, #tpu.memory_space<hbm>>) dst(%arg33 : memref<4096xi32, #tpu.memory_space<vmem>>)
    %dma_wait3A_20 = arith.constant 0 : i32
    %dma_wait3A_21 = tpu.memref_slice %arg5[%dma_wait3A_20] : memref<4194304xi32, #tpu.memory_space<hbm>> -> memref<4194304xi32, #tpu.memory_space<hbm>>
    tpu.wait_indirect_dma semaphore(%arg38 : memref<!tpu.dma_semaphore, #tpu.memory_space<semaphore_mem>>) src(%dma_wait3A_21 : memref<4194304xi32, #tpu.memory_space<hbm>>) dst(%arg34 : memref<4096xi32, #tpu.memory_space<vmem>>)
    %mul3A_22 = arith.constant 131072 : i32
    %mul3A_23 = arith.muli %add3A, %mul3A_22 : i32
    %add3A_24 = arith.constant 118784 : i32
    %add3A_25 = arith.addi %mul3A_23, %add3A_24 : i32
    %dma_wait3A_26 = tpu.memref_slice %arg6[%add3A_25] : memref<4194304xf32, #tpu.memory_space<hbm>> -> memref<4096xf32, #tpu.memory_space<hbm>>
    %dma_wait3A_27 = tpu.memref_slice %arg6[%add3A_25] : memref<4194304xf32, #tpu.memory_space<hbm>> -> memref<4096xf32, #tpu.memory_space<hbm>>
    tpu.wait_dma2 semaphore(%arg42 : memref<!tpu.dma_semaphore, #tpu.memory_space<semaphore_mem>>) src(%arg36 : memref<4096xf32, #tpu.memory_space<vmem>>) dst(%dma_wait3A_27 : memref<4096xf32, #tpu.memory_space<hbm>>)
    %scan3A_28 = arith.constant 0 : i32
    %scan3A_29 = arith.constant 0 : i32
    %scan3A_30 = arith.constant 256 : i32
    %scan3A_31 = arith.addi %scan3A_29, %scan3A_30 : i32
    %scan3A_32 = arith.constant 1 : i32
    scf.for %scan3A_52 = %scan3A_29 to %scan3A_31 step %scan3A_32  : i32 {
      %mul3A_53 = arith.constant 16 : i32
      %mul3A_54 = arith.muli %scan3A_52, %mul3A_53 : i32
      %get3A = arith.index_cast %mul3A_54 : i32 to index
      %get3A_55 = tpu.vector_load %arg16[%get3A] {strides = array<i32>} : memref<4096xf32, #tpu.memory_space<vmem>>, vector<16xf32>,
      %get3A_56 = arith.index_cast %mul3A_54 : i32 to index
      %get3A_57 = tpu.vector_load %arg17[%get3A_56] {strides = array<i32>} : memref<4096xf32, #tpu.memory_space<vmem>>, vector<16xf32>,
      %get3A_58 = arith.index_cast %mul3A_54 : i32 to index
      %get3A_59 = tpu.vector_load %arg18[%get3A_58] {strides = array<i32>} : memref<4096xf32, #tpu.memory_space<vmem>>, vector<16xf32>,
      %get3A_60 = arith.index_cast %mul3A_54 : i32 to index
      %get3A_61 = tpu.vector_load %arg31[%get3A_60] {strides = array<i32>} : memref<4096xi32, #tpu.memory_space<vmem>>, vector<16xi32>,
      %and3A = arith.constant -65536 : i32
      %and3A_62 = vector.broadcast %and3A : i32 to vector<16xi32>
      %and3A_63 = arith.andi %get3A_61, %and3A_62 : vector<16xi32>
      %bitcast_convert_type3A = tpu.bitcast %and3A_63 : vector<16xi32> -> vector<16xf32>
      %shift_left3A = arith.constant 16 : i32
      %shift_left3A_64 = vector.broadcast %shift_left3A : i32 to vector<16xi32>
      %shift_left3A_65 = arith.shli %get3A_61, %shift_left3A_64 : vector<16xi32>
      %bitcast_convert_type3A_66 = tpu.bitcast %shift_left3A_65 : vector<16xi32> -> vector<16xf32>
      %sub3A = arith.subf %bitcast_convert_type3A_66, %bitcast_convert_type3A : vector<16xf32>
      %mul3A_67 = arith.mulf %sub3A, %get3A_59 : vector<16xf32>
      %add3A_68 = arith.addf %bitcast_convert_type3A, %mul3A_67 : vector<16xf32>
      %get3A_69 = arith.index_cast %mul3A_54 : i32 to index
      %get3A_70 = tpu.vector_load %arg32[%get3A_69] {strides = array<i32>} : memref<4096xi32, #tpu.memory_space<vmem>>, vector<16xi32>,
      %and3A_71 = arith.constant -65536 : i32
      %and3A_72 = vector.broadcast %and3A_71 : i32 to vector<16xi32>
      %and3A_73 = arith.andi %get3A_70, %and3A_72 : vector<16xi32>
      %bitcast_convert_type3A_74 = tpu.bitcast %and3A_73 : vector<16xi32> -> vector<16xf32>
      %shift_left3A_75 = arith.constant 16 : i32
      %shift_left3A_76 = vector.broadcast %shift_left3A_75 : i32 to vector<16xi32>
      %shift_left3A_77 = arith.shli %get3A_70, %shift_left3A_76 : vector<16xi32>
      %bitcast_convert_type3A_78 = tpu.bitcast %shift_left3A_77 : vector<16xi32> -> vector<16xf32>
      %sub3A_79 = arith.subf %bitcast_convert_type3A_78, %bitcast_convert_type3A_74 : vector<16xf32>
      %mul3A_80 = arith.mulf %sub3A_79, %get3A_59 : vector<16xf32>
      %add3A_81 = arith.addf %bitcast_convert_type3A_74, %mul3A_80 : vector<16xf32>
      %get3A_82 = arith.index_cast %mul3A_54 : i32 to index
      %get3A_83 = tpu.vector_load %arg33[%get3A_82] {strides = array<i32>} : memref<4096xi32, #tpu.memory_space<vmem>>, vector<16xi32>,
      %and3A_84 = arith.constant -65536 : i32
      %and3A_85 = vector.broadcast %and3A_84 : i32 to vector<16xi32>
      %and3A_86 = arith.andi %get3A_83, %and3A_85 : vector<16xi32>
      %bitcast_convert_type3A_87 = tpu.bitcast %and3A_86 : vector<16xi32> -> vector<16xf32>
      %shift_left3A_88 = arith.constant 16 : i32
      %shift_left3A_89 = vector.broadcast %shift_left3A_88 : i32 to vector<16xi32>
      %shift_left3A_90 = arith.shli %get3A_83, %shift_left3A_89 : vector<16xi32>
      %bitcast_convert_type3A_91 = tpu.bitcast %shift_left3A_90 : vector<16xi32> -> vector<16xf32>
      %sub3A_92 = arith.subf %bitcast_convert_type3A_91, %bitcast_convert_type3A_87 : vector<16xf32>
      %mul3A_93 = arith.mulf %sub3A_92, %get3A_59 : vector<16xf32>
      %add3A_94 = arith.addf %bitcast_convert_type3A_87, %mul3A_93 : vector<16xf32>
      %get3A_95 = arith.index_cast %mul3A_54 : i32 to index
      %get3A_96 = tpu.vector_load %arg34[%get3A_95] {strides = array<i32>} : memref<4096xi32, #tpu.memory_space<vmem>>, vector<16xi32>,
      %and3A_97 = arith.constant -65536 : i32
      %and3A_98 = vector.broadcast %and3A_97 : i32 to vector<16xi32>
      %and3A_99 = arith.andi %get3A_96, %and3A_98 : vector<16xi32>
      %bitcast_convert_type3A_100 = tpu.bitcast %and3A_99 : vector<16xi32> -> vector<16xf32>
      %shift_left3A_101 = arith.constant 16 : i32
      %shift_left3A_102 = vector.broadcast %shift_left3A_101 : i32 to vector<16xi32>
      %shift_left3A_103 = arith.shli %get3A_96, %shift_left3A_102 : vector<16xi32>
      %bitcast_convert_type3A_104 = tpu.bitcast %shift_left3A_103 : vector<16xi32> -> vector<16xf32>
      %sub3A_105 = arith.subf %bitcast_convert_type3A_104, %bitcast_convert_type3A_100 : vector<16xf32>
      %mul3A_106 = arith.mulf %sub3A_105, %get3A_59 : vector<16xf32>
      %add3A_107 = arith.addf %bitcast_convert_type3A_100, %mul3A_106 : vector<16xf32>
      %sub3A_108 = arith.subf %add3A_81, %add3A_68 : vector<16xf32>
      %mul3A_109 = arith.mulf %sub3A_108, %get3A_57 : vector<16xf32>
      %add3A_110 = arith.addf %add3A_68, %mul3A_109 : vector<16xf32>
      %sub3A_111 = arith.subf %add3A_107, %add3A_94 : vector<16xf32>
      %mul3A_112 = arith.mulf %sub3A_111, %get3A_57 : vector<16xf32>
      %add3A_113 = arith.addf %add3A_94, %mul3A_112 : vector<16xf32>
      %sub3A_114 = arith.subf %add3A_113, %add3A_110 : vector<16xf32>
      %mul3A_115 = arith.mulf %sub3A_114, %get3A_55 : vector<16xf32>
      %add3A_116 = arith.addf %add3A_110, %mul3A_115 : vector<16xf32>
      %swap3A = arith.index_cast %mul3A_54 : i32 to index
      %swap3A_117 = tpu.vector_load %arg36[%swap3A] {strides = array<i32>} : memref<4096xf32, #tpu.memory_space<vmem>>, vector<16xf32>,
      tpu.vector_store %arg36[%swap3A], %add3A_116 {strides = array<i32>} : memref<4096xf32, #tpu.memory_space<vmem>>, vector<16xf32>,
    }
    %scan3A_33 = arith.constant 256 : i32
    %mul3A_34 = arith.constant 131072 : i32
    %mul3A_35 = arith.muli %add3A, %mul3A_34 : i32
    %add3A_36 = arith.constant 126976 : i32
    %add3A_37 = arith.addi %mul3A_35, %add3A_36 : i32
    %dma_start3A_38 = tpu.memref_slice %arg6[%add3A_37] : memref<4194304xf32, #tpu.memory_space<hbm>> -> memref<4096xf32, #tpu.memory_space<hbm>>
    %dma_start3A_39 = tpu.memref_slice %arg6[%add3A_37] : memref<4194304xf32, #tpu.memory_space<hbm>> -> memref<4096xf32, #tpu.memory_space<hbm>>
    tpu.enqueue_dma source(%arg36 : memref<4096xf32, #tpu.memory_space<vmem>>) target(%dma_start3A_39 : memref<4096xf32, #tpu.memory_space<hbm>>) target_semaphore(%arg42 : memref<!tpu.dma_semaphore, #tpu.memory_space<semaphore_mem>>)
    %mul3A_40 = arith.constant 131072 : i32
    %mul3A_41 = arith.muli %add3A, %mul3A_40 : i32
    %add3A_42 = arith.constant 126976 : i32
    %add3A_43 = arith.addi %mul3A_41, %add3A_42 : i32
    %dma_wait3A_44 = tpu.memref_slice %arg6[%add3A_43] : memref<4194304xf32, #tpu.memory_space<hbm>> -> memref<4096xf32, #tpu.memory_space<hbm>>
    %dma_wait3A_45 = tpu.memref_slice %arg6[%add3A_43] : memref<4194304xf32, #tpu.memory_space<hbm>> -> memref<4096xf32, #tpu.memory_space<hbm>>
    tpu.wait_dma2 semaphore(%arg42 : memref<!tpu.dma_semaphore, #tpu.memory_space<semaphore_mem>>) src(%arg36 : memref<4096xf32, #tpu.memory_space<vmem>>) dst(%dma_wait3A_45 : memref<4096xf32, #tpu.memory_space<hbm>>)
    %mul3A_46 = arith.constant 131072 : i32
    %mul3A_47 = arith.muli %add3A, %mul3A_46 : i32
    %add3A_48 = arith.constant 122880 : i32
    %add3A_49 = arith.addi %mul3A_47, %add3A_48 : i32
    %dma_wait3A_50 = tpu.memref_slice %arg6[%add3A_49] : memref<4194304xf32, #tpu.memory_space<hbm>> -> memref<4096xf32, #tpu.memory_space<hbm>>
    %dma_wait3A_51 = tpu.memref_slice %arg6[%add3A_49] : memref<4194304xf32, #tpu.memory_space<hbm>> -> memref<4096xf32, #tpu.memory_space<hbm>>
    tpu.wait_dma2 semaphore(%arg41 : memref<!tpu.dma_semaphore, #tpu.memory_space<semaphore_mem>>) src(%arg35 : memref<4096xf32, #tpu.memory_space<vmem>>) dst(%dma_wait3A_51 : memref<4096xf32, #tpu.memory_space<hbm>>)
    return
  }
}

</mosaic_0001>

<sc_bundles>
// kernel: _warp.3.cloned.1.call-start
scs
__scs_entry_jumppad:
0x0: {  	(pc) =	sbr.rel $0x88, $3  }
0x1: {  	(tag) =	ssettag $0x0;
	lr =	simm.s32 $0x1  }
0x2: {  	[smem:$0x3F9F] =	sst lr;
	_ =	strace $0xD0000000  }
0x3: {  	_ = 	snop  }
0x4: {  	_ = 	snop  }
0x5: {  	_ = 	snop  }
0x6: {  	_ = 	snop  }
0x7: {  	_ = 	snop  }
__scs_overlays_trampoline_lowered:
0x8: {  	[smem:$0x3FAE] =	sst s0  }
0x9: {  	[smem:$0x3FAF] =	sst s1  }
0xa: {  	[smem:$0x3FB0] =	sst s2  }
0xb: {  	[smem:$0x3FB1] =	sst s3  }
0xc: {  	[smem:$0x3FB2] =	sst s4  }
0xd: {  	[smem:$0x3FB3] =	sst s5  }
0xe: {  	[smem:$0x3FB4] =	sst s6  }
0xf: {  	[smem:$0x3FB5] =	sst s7  }
0x10: {  	[smem:$0x3FB6] =	sst s8  }
0x11: {  	[smem:$0x3FB7] =	sst s9;
	s0 =	simm.s32 @!p0 $0x0  }
0x12: {  	s1 =	sld [smem:$0x3F9D];
	s0 =	simm.s32 @p0 $0x1  }
0x13: {  	[smem:$0x3FB8] =	sst s0;
	s0 =	simm.s32 @!p1 $0x0  }
0x14: {  	s2 =	sld [smem:$0x3F9C];
	s0 =	simm.s32 @p1 $0x1  }
0x15: {  	[smem:$0x3FB9] =	sst s0;
	s0 =	simm.s32 @!p2 $0x0  }
0x16: {  	s3 =	sld [smem:$0x3FDB];
	s0 =	simm.s32 @p2 $0x1  }
0x17: {  	s4 =	simm.s32 $0x1BF5;
	[smem:$0x3FBB] =	sst s0  }
0x18: {  	s0 =	sld [smem:$0x3F9E];
	_ =	swait.ge [sflag:s4], $0x0  }
0x19: {  	s7 =	sld [smem:$0x3F9F]  }
0x1a: {  	s8 =	sadd.s32 $0xFFFFE003, lr  }
0x1b: {  	s9 =	sadd.s32 $0xFFFFFEF7, lr;
	s5 =	simm.s32 $0xFFFFFFFF;
	p2 =	slt.u32 s8, $0xFFFFF086  }
0x1c: {  	p1 =	slt.u32 s9, $0xF7A;
	s5 =	simm.s32 @!p2 $0x0  }
0x1d: {  	s5 =	simm.s32 @p1 $0x1;
	p0 =	seq.s32 s7, s2  }
0x1e: {  	s7 =	smul.u32 @!p0 $0xF7A, s2;
	p2 =	seq.s32 @!p0 s5, $0x0  }
0x1f: {  	s9 =	smul.u32 $0xF7A, s1;
	s8 =	simm.s32 @!p0 $0x1BF5;
	p2 =	por !p2, p0  }
0x20: {  	[sflag:s8] =	ssyncset.s32 @!p0 $0xFFFFF086;
	s6 =	sadd.s32 @!p0 s3, s7;
	s7 =	simm.s32 @!p0 $0x108  }
0x21: {  	s3 =	sadd.s32 s3, s9;
	s6 =	sadd.s32 @!p0 $0x88, s6;
	s7 =	simm.s32 @p2 $0x1082  }
0x22: {  	[simem:s7], [sflag:s8] =	dma.local @!p0 [hbm:s6], $0xF7A  }
0x23: {  	s9 =	sor.u32 $0xD0000000, s2;
	s6 =	simm.s32 $0x108;
	_ =	swait.ge @!p0 [sflag:s8], $0x0  }
0x24: {  	s3 =	sadd.s32 $0x88, s3;
	s6 =	simm.s32 @!p1 $0x1082;
	[sflag:s4] =	ssyncset.s32 $0xFFFFF086  }
0x25: {  	[simem:s6], [sflag:s4] =	dma.local [hbm:s3], $0xF7A  }
0x26: {  	[smem:$0x3F9F] =	sst s1;
	(tag) =	ssettag s2;
	_ =	strace s9  }
0x27: {  	s1 =	sld [smem:$0x3FAF]  }
0x28: {  	s2 =	sld [smem:$0x3FB0]  }
0x29: {  	s4 =	sld [smem:$0x3FB2]  }
0x2a: {  	p0 =	seq.s32 s5, $0x0;
	s5 =	sld [smem:$0x3FB3]  }
0x2b: {  	s6 =	sld [smem:$0x3FB4]  }
0x2c: {  	s7 =	sld [smem:$0x3FB5]  }
0x2d: {  	s3 =	simm.s32 $0x108;
	s8 =	sld [smem:$0x3FB6]  }
0x2e: {  	s3 =	simm.s32 @!p0 $0x1082;
	s9 =	sld [smem:$0x3FB7]  }
0x2f: {  	lr =	sadd.s32 s0, s3;
	s0 =	sld [smem:$0x3FAE]  }
0x30: {  	s3 =	sld [smem:$0x3FB1]  }
0x31: {  	[smem:$0x3FBA] =	sst s10  }
0x32: {  	s10 =	sld [smem:$0x3FB8];
	_ =	sdelay $0x3  }
0x33: {  	p0 =	seq.s32 s10, $0x1;
	s10 =	sld [smem:$0x3FBA];
	_ =	sdelay $0x3  }
0x34: {  	[smem:$0x3FBA] =	sst s10  }
0x35: {  	s10 =	sld [smem:$0x3FB9];
	_ =	sdelay $0x3  }
0x36: {  	p1 =	seq.s32 s10, $0x1;
	s10 =	sld [smem:$0x3FBA];
	_ =	sdelay $0x3  }
0x37: {  	[smem:$0x3FBA] =	sst s10  }
0x38: {  	s10 =	sld [smem:$0x3FBB]  }
0x39: {  	_ = 	snop;
	(pc) =	sbr.ind lr, $3  }
0x3a: {  	_ = 	snop  }
0x3b: {  	_ = 	snop  }
0x3c: {  	p2 =	seq.s32 s10, $0x1;
	s10 =	sld [smem:$0x3FBA]  }
0x3d: {  	_ =	shalt  }
0x3e: {  	_ =	shalt  }
0x3f: {  	_ =	shalt  }
0x40: {  	_ =	shalt  }
0x41: {  	_ =	shalt  }
0x42: {  	_ =	shalt  }
0x43: {  	_ =	shalt  }
0x44: {  	_ =	shalt  }
0x45: {  	_ =	shalt  }
0x46: {  	_ =	shalt  }
0x47: {  	_ =	shalt  }
0x48: {  	_ =	shalt  }
0x49: {  	_ =	shalt  }
0x4a: {  	_ =	shalt  }
0x4b: {  	_ =	shalt  }
0x4c: {  	_ =	shalt  }
0x4d: {  	_ =	shalt  }
0x4e: {  	_ =	shalt  }
0x4f: {  	_ =	shalt  }
0x50: {  	_ =	shalt  }
0x51: {  	_ =	shalt  }
0x52: {  	_ =	shalt  }
0x53: {  	_ =	shalt  }
0x54: {  	_ =	shalt  }
0x55: {  	_ =	shalt  }
0x56: {  	_ =	shalt  }
0x57: {  	_ =	shalt  }
0x58: {  	_ =	shalt  }
0x59: {  	_ =	shalt  }
0x5a: {  	_ =	shalt  }
0x5b: {  	_ =	shalt  }
0x5c: {  	_ =	shalt  }
0x5d: {  	_ =	shalt  }
0x5e: {  	_ =	shalt  }
0x5f: {  	_ =	shalt  }
0x60: {  	_ =	shalt  }
0x61: {  	_ =	shalt  }
0x62: {  	_ =	shalt  }
0x63: {  	_ =	shalt  }
0x64: {  	_ =	shalt  }
0x65: {  	_ =	shalt  }
0x66: {  	_ =	shalt  }
0x67: {  	_ =	shalt  }
0x68: {  	_ =	shalt  }
0x69: {  	_ =	shalt  }
0x6a: {  	_ =	shalt  }
0x6b: {  	_ =	shalt  }
0x6c: {  	_ =	shalt  }
0x6d: {  	_ =	shalt  }
0x6e: {  	_ =	shalt  }
0x6f: {  	_ =	shalt  }
0x70: {  	_ =	shalt  }
0x71: {  	_ =	shalt  }
0x72: {  	_ =	shalt  }
0x73: {  	_ =	shalt  }
0x74: {  	_ =	shalt  }
0x75: {  	_ =	shalt  }
0x76: {  	_ =	shalt  }
0x77: {  	_ =	shalt  }
0x78: {  	_ =	shalt  }
0x79: {  	_ =	shalt  }
0x7a: {  	_ =	shalt  }
0x7b: {  	_ =	shalt  }
0x7c: {  	_ =	shalt  }
0x7d: {  	_ =	shalt  }
0x7e: {  	_ =	shalt  }
0x7f: {  	_ =	shalt  }
0x80: {  	_ =	shalt  }
0x81: {  	_ =	shalt  }
0x82: {  	_ =	shalt  }
0x83: {  	_ =	shalt  }
0x84: {  	_ =	shalt  }
0x85: {  	_ =	shalt  }
0x86: {  	_ =	shalt  }
0x87: {  	_ =	shalt  }
.Lfunc_end0:
.L_simem_size_0:
called_computation_lowered:
.L_overlay_start_0:
0x88: {  	s2 =	sld [smem:$0x3FD9]  }
0x89: {  	s3 =	sld [smem:$0x3FFE];
	_ =	sdelay $0x1  }
0x8a: {  	s1 =	srdreg.scid  }
0x8b: {  	s0 =	sand.u32 $0x1, s1  }
0x8c: {  	s17 =	sshll.u32 s0, $0xA;
	s2 =	sadd.s32 s3, s2  }
0x8d: {  	s2 =	sadd.s32 s2, s17  }
0x8e: {  	[smem:$0x3FC6] =	sst s2  }
0x8f: {  	_ = 	snop  }
0x90: {  	s2 =	sld [smem:$0x3FD0];
	(tm) =	ssettm $0x1  }
0x91: {  	s18 =	sld [smem:$0x3FFB];
	_ =	sdelay $0x3  }
0x92: {  	_ =	strace s18  }
0x93: {  	s3 =	sld [smem:$0x3FFC];
	_ =	sdelay $0x3  }
0x94: {  	_ =	strace s3  }
0x95: {  	s3 =	sld [smem:$0x3FFD];
	_ =	sdelay $0x3  }
0x96: {  	_ =	strace s3  }
0x97: {  	_ =	strace $0x8FFFFFFF  }
0x98: {  	s19 =	sld [smem:$0x3FDB];
	_ =	sdelay $0x1  }
0x99: {  	s4 =	simm.s32 $_scs_section_size  }
0x9a: {  	s5 =	simm.s32 $_size__tile_overlayer_lowered;
	s6 =	simm.s32 $_tile_overlayer_lowered  }
0x9b: {  	s22 =	simm.s32 $0x1BFF;
	s21 =	sshll.u32 s6, $0x1;
	s3 =	sadd.s32 s4, s19  }
0x9c: {  	s7 =	simm.s32 $0x0;
	s20 =	sshll.u32 s5, $0x1;
	s5 =	sadd.s32 s21, s3  }
0x9d: {  	[timem:s7], [sflag:s22] =	dma.local [hbm:s5], s20  }
0x9e: {  	_ =	swait.ge [sflag:s22], s20  }
0x9f: {  	s4 =	ssub.s32 $0x0, s20;
	[sflag:s22] =	ssyncset.done $0x0  }
0xa0: {  	[sflag:s22] =	ssyncadd.s32 s4;
	_ =	sdelay $0x1  }
0xa1: {  	s23 =	simm.s32 $0x1B8B  }
0xa2: {  	_ =	swait.ge [sflag:s23], $0x1  }
0xa3: {  	[sflag:s23] =	ssyncset.done $0x0  }
0xa4: {  	s25 =	simm.s32 $0x1B8E;
	s24 =	sld [smem:$0x3FFE];
	[sflag:s23] =	ssyncadd.s32 $0xFFFFFFFF  }
0xa5: {  	s26 =	simm.s32 $execute0_lowered;
	[smem:$0x3FD2] =	sst s25  }
0xa6: {  	s5 =	sshll.u32 s26, $0x1;
	_ =	strace $0x80000046;
	[dreg:$0x1] =	wrdreg $0xFFFFFFFF  }
0xa7: {  	s28 =	simm.s32 $_size_execute0_lowered;
	s3 =	sadd.s32 s3, s5;
	[dreg:$0x0] =	wrdreg $0x0  }
0xa8: {  	s5 =	sshll.u32 s28, $0x1;
	[dreg:$0x2] =	wrdreg s3  }
0xa9: {  	[dreg:$0x3] =	wrdreg s5  }
0xaa: {  	[dreg:$0x4] =	wrdreg $0xC0  }
0xab: {  	_ =	task [dreg:s7], $0x5FFFF  }
0xac: {  	[dreg:$0x1] =	wrdreg $0xFFFFFFFF  }
0xad: {  	[dreg:$0x0] =	wrdreg $0x60  }
0xae: {  	[dreg:$0x2] =	wrdreg s24  }
0xaf: {  	[dreg:$0x3] =	wrdreg s2  }
0xb0: {  	[dreg:$0x4] =	wrdreg $0x9  }
0xb1: {  	_ =	task.clear_ibuf [dreg:s7], $0x5FFFF;
	_ =	strace $0x90000046  }
0xb2: {  	s29 =	simm.s32 $0x9;
	_ =	strace $0x80000048  }
0xb3: {  	_ =	swait.ge [sflag:s29], $0x1  }
0xb4: {  	[sflag:s29] =	ssyncadd.s32 $0xFFFFFFFF  }
0xb5: {  	_ =	strace $0x90000048  }
0xb6: {  	_ =	sfence  }
0xb7: {  	s30 =	sld [smem:$0x0];
	_ =	sdelay $0x2  }
0xb8: {  	s31 =	sshll.u32 s1, $0xD;
	s1 =	sshrl.u32 s1, $0x2  }
0xb9: {  	s3 =	sand.u32 $0x4000, s31;
	s1 =	sadd.s32 s1, s30  }
0xba: {  	s0 =	sor.u32 s3, s0;
	s1 =	sshll.u32 s1, $0x11  }
0xbb: {  	s0 =	sor.u32 s1, s0  }
0xbc: {  	s0 =	sadd.s32 $0x8F2B, s0  }
0xbd: {  	[sflag:s0] =	ssyncadd.remote.s32 $0x1  }
0xbe: {  	_ =	sfence.sel $0xFFFF  }
0xbf: {  	[dreg:$0x0] =	wrdreg $0xFFFFFFFF;
	(pc) =	sbr.abs _section_cstart, $3  }
0xc0: {  	[dreg:$0x1] =	wrdreg $0xFFFFFFFF  }
0xc1: {  	_ =	task.clear_ibuf [dreg:s7], $0x2FFFF;
	_ =	strace $0x9FFFFFFF  }
0xc2: {  	(tm) =	ssettm $0x7FFFFFFF  }
0xc3: {  	_ =	shalt  }
tec
execute0_lowered:
.L_overlay_start_1:
0x0: {  	(tag) =	ssettag $0x1  }
0x1: {  	s0 =	rddreg [dreg:$0x0]  }
0x2: {  	s1 =	rddreg [dreg:$0x1]  }
0x3: {  	s2 =	simm.s32 $0x0;
	s3 =	srdreg.scid;
	s6 =	stileid.u32  }
0x4: {  	s17 =	simm.s32 $0x1000;
	s19 =	simm.s32 $0x3;
	s10 =	simm.s32 $0x19000  }
0x5: {  	s11 =	simm.s32 $0x12000;
	s14 =	simm.s32 $0x1A000;
	s15 =	simm.s32 $0x13000  }
0x6: {  	s16 =	simm.s32 $0x1B000;
	s20 =	simm.s32 $0x1;
	s21 =	simm.s32 $0x1C000  }
0x7: {  	s22 =	simm.s32 $0x2;
	s18 =	simm.s32 $0x0;
	[smem:$0x7FF] =	sst s2  }
0x8: {  	s4 =	sadd.s32 $0x100600, s0;
	s5 =	sadd.s32 $0x80600, s0;
	s3 =	sand.u32 $0x1, s3  }
0x9: {  	s8 =	sshll.u32 s6, $0x12;
	s7 =	ssub.s32 $0x2, s3;
	s3 =	sshll.u32 s3, $0x11  }
0xa: {  	s6 =	sadd.s32 $0x600, s0;
	_ =	strace $0x80000047;
	s24 =	sor.u32 s3, s8  }
0xb: {  	s9 =	sshrl.u32 s7, $0x1;
	s3 =	sshrl.u32 s24, $0x3;
	s31 =	sor.u32 $0x1000, s24  }
0xc: {  	s8 =	sadd.s32 $0x180600, s0;
	s28 =	sadd.s32 s4, s3;
	[dreg:$0x8] =	wrdreg s31  }
0xd: {  	s26 =	ssub.s32 s7, s9;
	s29 =	sadd.s32 s5, s3;
	[dreg:$0x3] =	wrdreg s28  }
0xe: {  	s12 =	sadd.s32 $0xFFFFF000, s24;
	s30 =	sadd.s32 s6, s3;
	[dreg:$0x4] =	wrdreg s29  }
0xf: {  	s3 =	sadd.s32 s3, s1;
	s0 =	smax.u32 s26, $0x1;
	[dreg:$0x5] =	wrdreg s30  }
0x10: {  	s13 =	sor.u32 $0x2000, s24;
	s3 =	sadd.s32 $0x3E00, s3;
	[dreg:$0x7] =	wrdreg s0  }
0x11: {  	v0 =	vlaneseq.u32;
	s9 =	simm.s32 $0x11000;
	s0 =	simm.s32 $0x4;
	[dreg:$0x6] =	wrdreg s3  }
.LBB2_1:
0x12: {  	[dreg:$0x9] =	wrdreg s18  }
0x13: {  	s3 =	rddreg [dreg:$0x3]  }
0x14: {  	[tilespmem:s2], [sflag:$0x3] =	stream.linear.gather [hbm4b:s3+s2], $0x1000, $0x38;
	[tilespmem:$0x1E000] =	vst v63  }
0x15: {  	s30 =	rddreg [dreg:$0x4]  }
0x16: {  	[tilespmem:s17], [sflag:$0x3] =	stream.linear.gather [hbm4b:s30+s2], $0x1000, $0x38;
	[tilespmem:$0x1E000] =	vst v63  }
0x17: {  	s31 =	rddreg [dreg:$0x5];
	s7 =	simm.s32 $0x2000  }
0x18: {  	[tilespmem:s7], [sflag:$0x3] =	stream.linear.gather [hbm4b:s31+s2], $0x1000, $0x38;
	[tilespmem:$0x1E000] =	vst v63  }
0x19: {  	s23 =	rddreg [dreg:$0x8];
	s25 =	simm.s32 $0x0;
	s7 =	smov.u32 s24  }
.LBB2_2:
0x1a: {  	_ =	swait.ge [sflag:s19], $0x1000  }
0x1b: {  	[sflag:s19] =	ssyncset.done $0x0  }
0x1c: {  	[sflag:s19] =	ssyncadd.s32 $0xFFFFF000  }
0x1d: {  	_ =	swait.ge [sflag:s19], $0x1000  }
0x1e: {  	s28 =	sshll.u32 s25, $0xD;
	[sflag:s19] =	ssyncset.done $0x0  }
0x1f: {  	s26 =	sor.u32 s24, s28;
	[sflag:s19] =	ssyncadd.s32 $0xFFFFF000  }
0x20: {  	s3 =	sor.u32 $0x1000, s26;
	_ =	swait.ge [sflag:s19], $0x1000  }
0x21: {  	s30 =	simm.s32 $0x0;
	s3 =	sshrl.u32 s3, $0x3;
	[sflag:s19] =	ssyncset.done $0x0  }
0x22: {  	s18 =	simm.s32 $0x3000;
	s29 =	sadd.s32 s4, s3;
	[sflag:s19] =	ssyncadd.s32 $0xFFFFF000  }
0x23: {  	[tilespmem:s18], [sflag:$0x4] =	stream.linear.gather [hbm4b:s29+s30], $0x1000, $0x38;
	[tilespmem:$0x1E000] =	vst v63  }
0x24: {  	s29 =	sadd.s32 s5, s3;
	s18 =	simm.s32 $0x4000  }
0x25: {  	[tilespmem:s18], [sflag:$0x4] =	stream.linear.gather [hbm4b:s29+s30], $0x1000, $0x38;
	[tilespmem:$0x1E000] =	vst v63  }
0x26: {  	s3 =	sadd.s32 s6, s3;
	s18 =	simm.s32 $0x5000;
	s29 =	simm.s32 $0x0  }
0x27: {  	[tilespmem:s18], [sflag:$0x4] =	stream.linear.gather [hbm4b:s3+s30], $0x1000, $0x38;
	[tilespmem:$0x1E000] =	vst v63  }
0x28: {  	v1 =	vmov s7;
	v2 =	vld [tilespmem:s29+$0x0]  }
0x29: {  	v4 =	vshrl.u32 v1, $0xE  }
0x2a: {  	v3 =	vand.u32 $0x7F, v4;
	v5 =	vld [tilespmem:s29+$0x1000]  }
0x2b: {  	v1 =	vshrl.u32 v1, $0x7;
	v3 =	vcvt.s32.f32 v3  }
0x2c: {  	v1 =	vand.u32 $0x7F, v1  }
0x2d: {  	v1 =	vcvt.s32.f32 v1;
	v2 =	vadd.f32 v3, v2;
	_ =	sdelay $0x1  }
0x2e: {  	v3 =	vadd.f32 v1, v5;
	v5 =	vld [tilespmem:s29+$0x2000];
	v2 =	vmax.f32 v2, $0.0e+00  }
0x2f: {  	v6 =	vor.u32 s7, v0;
	v1 =	vmin.f32 v2, $1.270000000e+02  }
0x30: {  	v3 =	vmax.f32 v3, $0.0e+00;
	v2 =	vand.u32 $0x7F, v6;
	v6 =	vtrunc.f32 v1  }
0x31: {  	v3 =	vmin.f32 v3, $1.270000000e+02;
	v2 =	vcvt.s32.f32 v2;
	v9 =	vcvt.f32.s32 v6  }
0x32: {  	v6 =	vtrunc.f32 v3  }
0x33: {  	v2 =	vadd.f32 v2, v5;
	v6 =	vcvt.f32.s32 v6;
	v7 =	vadd.s32 $0x1, v9  }
0x34: {  	v10 =	vand.u32 $0x3FF80, v4;
	v5 =	vcvt.s32.f32 v9;
	vm0 =	vlt.s32 v7, $0x7F  }
0x35: {  	v2 =	vmax.f32 v2, $0.0e+00;
	v8 =	vadd.s32 $0x1, v6;
	v7 =	vnsel vm0, $0x7F, v7  }
0x36: {  	v4 =	vmin.f32 v2, $1.270000000e+02;
	vm15 =	vlt.s32 v8, $0x7F;
	v2 =	vadd.s32 v10, v7  }
0x37: {  	v11 =	vtrunc.f32 v4;
	v7 =	vnsel vm15, $0x7F, v8;
	v8 =	vshll.u32 v2, $0x7  }
0x38: {  	s31 =	sadd.s32 $0x10, s7;
	s30 =	simm.s32 $0x10;
	s3 =	simm.s32 $0x80;
	v9 =	vadd.s32 v9, v10;
	v2 =	vcvt.f32.s32 v11;
	v10 =	vadd.s32 v7, v8  }
.LBB2_3:
0x39: {  	p0 =	sne.s32 s3, $0x3FC0;
	v11 =	vmov s31;
	v12 =	vld [tilespmem:s30+$0x0];
	v9 =	vshll.u32 v9, $0x7;
	v10 =	vshll.u32 v10, $0x7  }
0x3a: {  	v14 =	vcvt.s32.f32 v6;
	v13 =	vshrl.u32 v11, $0xE;
	v10 =	vadd.s32 v2, v10  }
0x3b: {  	v8 =	vadd.s32 v6, v8;
	v17 =	vcvt.s32.f32 v2;
	v15 =	vand.u32 $0x7F, v13;
	v16 =	vld [tilespmem:s30+$0x1000];
	[tilespmem:s29+$0xF000] =	vst v10  }
0x3c: {  	v7 =	vadd.s32 v9, v7;
	v10 =	vshrl.u32 v11, $0x7;
	v11 =	vcvt.s32.f32 v15  }
0x3d: {  	v6 =	vadd.s32 v6, v9;
	v8 =	vshll.u32 v8, $0x7;
	v10 =	vand.u32 $0x7F, v10  }
0x3e: {  	v7 =	vshll.u32 v7, $0x7;
	v10 =	vcvt.s32.f32 v10;
	v9 =	vadd.f32 v11, v12  }
0x3f: {  	v5 =	vsub.f32 v1, v5;
	v6 =	vshll.u32 v6, $0x7;
	v11 =	vsub.f32 v3, v14  }
0x40: {  	v4 =	vsub.f32 v4, v17;
	v1 =	vmax.f32 v9, $0.0e+00;
	v3 =	vadd.f32 v10, v16;
	v9 =	vld [tilespmem:s30+$0x2000]  }
0x41: {  	v10 =	vor.u32 s31, v0;
	v1 =	vmin.f32 v1, $1.270000000e+02;
	[tilespmem:s29+$0x6000] =	vst v5;
	v5 =	vadd.s32 v2, v8  }
0x42: {  	v8 =	vand.u32 $0x7F, v10;
	v3 =	vmax.f32 v3, $0.0e+00;
	v10 =	vtrunc.f32 v1;
	[tilespmem:s29+$0xE000] =	vst v5  }
0x43: {  	v5 =	vcvt.s32.f32 v8;
	v3 =	vmin.f32 v3, $1.270000000e+02;
	v10 =	vcvt.f32.s32 v10;
	[tilespmem:s29+$0x7000] =	vst v11  }
0x44: {  	v8 =	vtrunc.f32 v3;
	[tilespmem:s29+$0x8000] =	vst v4;
	v4 =	vadd.s32 v2, v6;
	v2 =	vadd.s32 v2, v7  }
0x45: {  	v7 =	vadd.f32 v5, v9;
	v6 =	vcvt.f32.s32 v8;
	v8 =	vadd.s32 $0x1, v10;
	[tilespmem:s29+$0xD000] =	vst v2  }
.Ltmp0:
0x46: {  	v5 =	vcvt.s32.f32 v10;
	v9 =	vand.u32 $0x3FF80, v13;
	vm0 =	vlt.s32 v8, $0x7F;
	[tilespmem:s29+$0xC000] =	vst v4;
	s29 =	smov.u32 s30;
	(pc) =	sbr.rel @p0 .LBB2_3-.Ltmp0, $4  }
0x47: {  	v2 =	vmax.f32 v7, $0.0e+00;
	v7 =	vnsel vm0, $0x7F, v8;
	v8 =	vadd.s32 $0x1, v6  }
0x48: {  	v4 =	vmin.f32 v2, $1.270000000e+02;
	vm0 =	vlt.s32 v8, $0x7F;
	v2 =	vadd.s32 v9, v7  }
0x49: {  	v11 =	vtrunc.f32 v4;
	v7 =	vnsel vm0, $0x7F, v8;
	v8 =	vshll.u32 v2, $0x7  }
0x4a: {  	s31 =	sadd.s32 $0x10, s31;
	s30 =	sshra.s32 s3, $0x2;
	s3 =	sadd.s32 $0x40, s3;
	v9 =	vadd.s32 v10, v9;
	v2 =	vcvt.f32.s32 v11;
	v10 =	vadd.s32 v7, v8  }
0x4b: {  	v11 =	vmov s31  }
0x4c: {  	v12 =	vld [tilespmem:s30+$0x0];
	v9 =	vshll.u32 v9, $0x7;
	v10 =	vshll.u32 v10, $0x7;
	v14 =	vcvt.s32.f32 v6  }
0x4d: {  	v8 =	vadd.s32 v6, v8;
	v1 =	vsub.f32 v1, v5;
	v13 =	vshrl.u32 v11, $0xE  }
0x4e: {  	v16 =	vld [tilespmem:s30+$0x1000];
	v47 =	vor.u32 s31, v0;
	v10 =	vadd.s32 v2, v10;
	v15 =	vand.u32 $0x7F, v13  }
0x4f: {  	v17 =	vcvt.s32.f32 v2;
	v11 =	vshrl.u32 v11, $0x7;
	v15 =	vcvt.s32.f32 v15  }
0x50: {  	v7 =	vadd.s32 v9, v7;
	v43 =	vadd.s32 v6, v9;
	v11 =	vand.u32 $0x7F, v11;
	[tilespmem:s29+$0xF000] =	vst v10  }
0x51: {  	v8 =	vshll.u32 v8, $0x7;
	v11 =	vcvt.s32.f32 v11;
	v10 =	vld [tilespmem:s30+$0x2000];
	v44 =	vadd.f32 v15, v12  }
0x52: {  	v7 =	vshll.u32 v7, $0x7;
	v3 =	vsub.f32 v3, v14;
	v6 =	vshll.u32 v43, $0x7  }
0x53: {  	v46 =	vadd.f32 v11, v16;
	v11 =	vand.u32 $0x7F, v47;
	v45 =	vmax.f32 v44, $0.0e+00  }
0x54: {  	v8 =	vadd.s32 v2, v8;
	v11 =	vcvt.s32.f32 v11;
	v5 =	vmin.f32 v45, $1.270000000e+02  }
0x55: {  	v13 =	vand.u32 $0x3FF80, v13;
	v9 =	vmax.f32 v46, $0.0e+00;
	v48 =	vtrunc.f32 v5  }
0x56: {  	v9 =	vmin.f32 v9, $1.270000000e+02;
	v10 =	vadd.f32 v11, v10;
	v12 =	vcvt.f32.s32 v48  }
0x57: {  	v4 =	vsub.f32 v4, v17;
	v7 =	vadd.s32 v2, v7;
	v49 =	vtrunc.f32 v9  }
0x58: {  	[tilespmem:s29+$0x6000] =	vst v1;
	v50 =	vcvt.f32.s32 v49;
	v1 =	vmax.f32 v10, $0.0e+00;
	v51 =	vadd.s32 $0x1, v12  }
0x59: {  	v2 =	vadd.s32 v2, v6;
	v1 =	vmin.f32 v1, $1.270000000e+02;
	vm0 =	vlt.s32 v51, $0x7F  }
0x5a: {  	[tilespmem:s29+$0x7000] =	vst v3;
	v53 =	vadd.s32 $0x1, v50;
	v3 =	vtrunc.f32 v1;
	v52 =	vnsel vm0, $0x7F, v51  }
0x5b: {  	[tilespmem:s29+$0xE000] =	vst v8;
	v56 =	vcvt.s32.f32 v12;
	vm15 =	vlt.s32 v53, $0x7F;
	v54 =	vadd.s32 v13, v52  }
0x5c: {  	[tilespmem:s29+$0xD000] =	vst v7;
	v58 =	vcvt.s32.f32 v50;
	v55 =	vnsel vm15, $0x7F, v53;
	v8 =	vshll.u32 v54, $0x7  }
0x5d: {  	[tilespmem:s29+$0x8000] =	vst v4;
	v3 =	vcvt.f32.s32 v3;
	v4 =	vsub.f32 v5, v56;
	v14 =	vadd.s32 v55, v8  }
0x5e: {  	[tilespmem:s29+$0xC000] =	vst v2;
	v60 =	vadd.s32 v12, v13;
	v62 =	vsub.f32 v9, v58;
	v57 =	vshll.u32 v14, $0x7  }
0x5f: {  	v61 =	vcvt.s32.f32 v3;
	[tilespmem:s30+$0x6000] =	vst v4;
	v59 =	vadd.s32 v50, v8;
	v2 =	vadd.s32 v3, v57  }
0x60: {  	v5 =	vshll.u32 v60, $0x7;
	[tilespmem:s30+$0xF000] =	vst v2;
	v2 =	vshll.u32 v59, $0x7  }
0x61: {  	v63 =	vadd.s32 v5, v55;
	[tilespmem:s30+$0x7000] =	vst v62;
	v1 =	vsub.f32 v1, v61;
	v2 =	vadd.s32 v3, v2  }
0x62: {  	v4 =	vshll.u32 v63, $0x7;
	[tilespmem:s30+$0xE000] =	vst v2;
	v2 =	vadd.s32 v50, v5  }
0x63: {  	[tilespmem:s30+$0x8000] =	vst v1;
	v1 =	vadd.s32 v3, v4;
	v2 =	vshll.u32 v2, $0x7  }
0x64: {  	[tilespmem:s30+$0xD000] =	vst v1;
	v2 =	vadd.s32 v3, v2  }
0x65: {  	s3 =	simm.s32 $0xC000;
	s18 =	simm.s32 $0x14000;
	[tilespmem:s30+$0xC000] =	vst v2  }
0x66: {  	[tilespmem:s18], [sflag:$0x1] =	stream.indirect.gather [hbm4b:s8+s17], $0x1, s3, s17, $0xb8;
	[tilespmem:$0x1E000] =	vst v63  }
0x67: {  	s31 =	simm.s32 $0x15000;
	p0 =	seq.s32 s25, $0x0;
	s30 =	simm.s32 $0xD000  }
0x68: {  	[tilespmem:s31], [sflag:$0x1] =	stream.indirect.gather [hbm4b:s8+s17], $0x1, s30, s17, $0xb8;
	[tilespmem:$0x1E000] =	vst v63  }
.Ltmp1:
0x69: {  	_ = 	snop;
	(pc) =	sbr.rel @p0 .LBB2_8-.Ltmp1, $4  }
0x6a: {  	s29 =	simm.s32 $0x16000;
	s18 =	simm.s32 $0xE000  }
0x6b: {  	[tilespmem:s29], [sflag:$0x1] =	stream.indirect.gather [hbm4b:s8+s17], $0x1, s18, s17, $0xb8;
	[tilespmem:$0x1E000] =	vst v63  }
0x6c: {  	s30 =	simm.s32 $0xF000;
	s31 =	simm.s32 $0x17000  }
0x6d: {  	[tilespmem:s31], [sflag:$0x1] =	stream.indirect.gather [hbm4b:s8+s17], $0x1, s30, s17, $0xb8;
	[tilespmem:$0x1E000] =	vst v63  }
0x6e: {  	_ =	swait.ge [sflag:s22], $0x1000  }
0x6f: {  	[sflag:s22] =	ssyncset.done $0x0  }
0x70: {  	[sflag:s22] =	ssyncadd.s32 $0xFFFFF000  }
0x71: {  	_ =	swait.ge [sflag:s22], $0x1000  }
0x72: {  	[sflag:s22] =	ssyncset.done $0x0  }
0x73: {  	[sflag:s22] =	ssyncadd.s32 $0xFFFFF000  }
0x74: {  	_ =	swait.ge [sflag:s22], $0x1000  }
0x75: {  	[sflag:s22] =	ssyncset.done $0x0  }
0x76: {  	[sflag:s22] =	ssyncadd.s32 $0xFFFFF000  }
0x77: {  	_ =	swait.ge [sflag:s22], $0x1000  }
0x78: {  	p1 =	seq.s32 s25, $0x1;
	[sflag:s22] =	ssyncset.done $0x0  }
0x79: {  	s3 =	simm.s32 @!p1 $0x6;
	[sflag:s22] =	ssyncadd.s32 $0xFFFFF000  }
0x7a: {  	_ =	swait.ge @!p1 [sflag:s3], $0x1000  }
0x7b: {  	[sflag:s3] =	ssyncset.done @!p1 $0x0  }
0x7c: {  	s30 =	simm.s32 $0x0;
	[sflag:s3] =	ssyncadd.s32 @!p1 $0xFFFFF000  }
0x7d: {  	v1 =	vld [tilespmem:s30+$0x18000]  }
0x7e: {  	v2 =	vld [tilespmem:s30+$0x19000]  }
0x7f: {  	v3 =	vld [tilespmem:s30+$0x1A000]  }
0x80: {  	v4 =	vld [tilespmem:s30+$0x1B000];
	_ =	sdelay $0x2  }
0x81: {  	v6 =	vld [tilespmem:s30+$0xB000];
	v5 =	vand.u32 $0xFFFF0000, v1  }
0x82: {  	s29 =	simm.s32 $0x10;
	v1 =	vshll.u32 v1, $0x10;
	v7 =	vand.u32 $0xFFFF0000, v2;
	v2 =	vshll.u32 v2, $0x10  }
0x83: {  	v8 =	vld [tilespmem:s29+$0x18000];
	v9 =	vand.u32 $0xFFFF0000, v3;
	v3 =	vshll.u32 v3, $0x10;
	v10 =	vand.u32 $0xFFFF0000, v4  }
0x84: {  	v11 =	vld [tilespmem:s29+$0x19000];
	v4 =	vshll.u32 v4, $0x10;
	v1 =	vsub.f32 v1, v5;
	v2 =	vsub.f32 v2, v7  }
0x85: {  	v12 =	vld [tilespmem:s29+$0x1A000];
	v3 =	vsub.f32 v3, v9;
	v4 =	vsub.f32 v4, v10  }
0x86: {  	v1 =	vmul.f32 v1, v6;
	v2 =	vmul.f32 v2, v6  }
0x87: {  	v13 =	vld [tilespmem:s29+$0x1B000];
	v3 =	vmul.f32 v3, v6;
	v4 =	vmul.f32 v4, v6  }
0x88: {  	v14 =	vld [tilespmem:s30+$0xA000];
	v6 =	vand.u32 $0xFFFF0000, v8;
	v15 =	vadd.f32 v5, v1;
	v1 =	vadd.f32 v7, v2  }
0x89: {  	v2 =	vshll.u32 v8, $0x10;
	v8 =	vadd.f32 v9, v3;
	v4 =	vadd.f32 v10, v4  }
0x8a: {  	s31 =	simm.s32 $0x20;
	v16 =	vand.u32 $0xFFFF0000, v11;
	v7 =	vshll.u32 v11, $0x10;
	v3 =	vand.u32 $0xFFFF0000, v12;
	v11 =	vld [tilespmem:s29+$0xB000]  }
0x8b: {  	v10 =	vld [tilespmem:s31+$0x18000];
	v9 =	vshll.u32 v12, $0x10;
	v1 =	vsub.f32 v1, v15;
	v12 =	vsub.f32 v4, v8  }
0x8c: {  	v5 =	vand.u32 $0xFFFF0000, v13;
	v13 =	vshll.u32 v13, $0x10;
	v2 =	vsub.f32 v2, v6  }
0x8d: {  	v17 =	vsub.f32 v7, v16;
	v4 =	vld [tilespmem:s31+$0x19000];
	v7 =	vmul.f32 v1, v14;
	v14 =	vmul.f32 v12, v14  }
0x8e: {  	v18 =	vsub.f32 v9, v3;
	v19 =	vsub.f32 v13, v5;
	v12 =	vld [tilespmem:s30+$0x9000]  }
0x8f: {  	v9 =	vld [tilespmem:s31+$0x1A000];
	v20 =	vmul.f32 v2, v11;
	v7 =	vadd.f32 v7, v15;
	v15 =	vadd.f32 v14, v8  }
0x90: {  	v1 =	vand.u32 $0xFFFF0000, v10;
	v17 =	vmul.f32 v17, v11;
	v13 =	vmul.f32 v18, v11  }
0x91: {  	v8 =	vshll.u32 v10, $0x10;
	v10 =	vld [tilespmem:s31+$0x1B000];
	v14 =	vmul.f32 v19, v11;
	v15 =	vsub.f32 v15, v7  }
0x92: {  	s3 =	simm.s32 $0xC0;
	v11 =	vld [tilespmem:s29+$0xA000];
	v2 =	vand.u32 $0xFFFF0000, v4;
	v6 =	vadd.f32 v6, v20;
	v16 =	vadd.f32 v16, v17  }
.LBB2_6:
0x93: {  	s18 =	sshra.s32 s3, $0x2;
	p1 =	sne.s32 s3, $0x3FC0;
	v13 =	vadd.f32 v3, v13;
	v5 =	vadd.f32 v5, v14;
	v12 =	vmul.f32 v15, v12  }
0x94: {  	v15 =	vshll.u32 v4, $0x10;
	v14 =	vld [tilespmem:s18+$0x18000];
	v3 =	vand.u32 $0xFFFF0000, v9;
	v16 =	vsub.f32 v16, v6  }
0x95: {  	v9 =	vshll.u32 v9, $0x10;
	v17 =	vld [tilespmem:s31+$0xB000];
	v18 =	vsub.f32 v5, v13;
	v7 =	vadd.f32 v12, v7  }
0x96: {  	v19 =	vsub.f32 v8, v1;
	v5 =	vand.u32 $0xFFFF0000, v10;
	v8 =	vshll.u32 v10, $0x10  }
0x97: {  	v10 =	vsub.f32 v15, v2;
	v4 =	vld [tilespmem:s18+$0x19000];
	v15 =	vmul.f32 v16, v11;
	v11 =	vmul.f32 v18, v11;
	[tilespmem:s30+$0x1D000] =	vst v7;
	s30 =	smov.u32 s29;
	s29 =	smov.u32 s31;
	s31 =	smov.u32 s18  }
.Ltmp2:
0x98: {  	v16 =	vsub.f32 v9, v3;
	v18 =	vsub.f32 v8, v5;
	v12 =	vld [tilespmem:s30+$0x9000];
	(pc) =	sbr.rel @p1 .LBB2_6-.Ltmp2, $4  }
0x99: {  	v20 =	vand.u32 $0xFFFF0000, v14;
	v9 =	vld [tilespmem:s31+$0x1A000];
	v7 =	vadd.f32 v15, v6;
	v6 =	vadd.f32 v11, v13  }
0x9a: {  	v8 =	vshll.u32 v14, $0x10;
	v19 =	vmul.f32 v19, v17;
	v21 =	vmul.f32 v10, v17  }
0x9b: {  	v13 =	vmul.f32 v16, v17;
	v14 =	vmul.f32 v18, v17;
	v10 =	vld [tilespmem:s31+$0x1B000];
	v15 =	vsub.f32 v6, v7  }
0x9c: {  	s3 =	sadd.s32 $0x40, s3;
	v11 =	vld [tilespmem:s29+$0xA000];
	v6 =	vadd.f32 v1, v19;
	v16 =	vadd.f32 v2, v21;
	v2 =	vand.u32 $0xFFFF0000, v4;
	v1 =	vmovc v20  }
0x9d: {  	v3 =	vadd.f32 v3, v13;
	v5 =	vadd.f32 v5, v14;
	v12 =	vmul.f32 v15, v12  }
0x9e: {  	v4 =	vshll.u32 v4, $0x10;
	v8 =	vsub.f32 v8, v1;
	v50 =	vsub.f32 v16, v6  }
0x9f: {  	v51 =	vld [tilespmem:s31+$0xB000];
	v49 =	vand.u32 $0xFFFF0000, v9;
	v5 =	vsub.f32 v5, v3;
	v7 =	vadd.f32 v12, v7  }
0xa0: {  	v52 =	vshll.u32 v9, $0x10;
	v4 =	vsub.f32 v4, v2;
	v53 =	vand.u32 $0xFFFF0000, v10  }
0xa1: {  	v54 =	vshll.u32 v10, $0x10;
	v14 =	vmul.f32 v50, v11;
	v5 =	vmul.f32 v5, v11;
	[tilespmem:s30+$0x1D000] =	vst v7  }
0xa2: {  	v55 =	vsub.f32 v52, v49;
	v56 =	vsub.f32 v54, v53;
	v57 =	vld [tilespmem:s29+$0x9000]  }
0xa3: {  	v58 =	vadd.f32 v14, v6;
	v3 =	vadd.f32 v5, v3  }
0xa4: {  	v59 =	vmul.f32 v8, v51;
	v4 =	vmul.f32 v4, v51  }
0xa5: {  	v7 =	vmul.f32 v55, v51;
	v60 =	vmul.f32 v56, v51;
	v3 =	vsub.f32 v3, v58  }
0xa6: {  	v61 =	vld [tilespmem:s31+$0xA000];
	v1 =	vadd.f32 v1, v59;
	v2 =	vadd.f32 v2, v4  }
0xa7: {  	v62 =	vadd.f32 v49, v7;
	v63 =	vadd.f32 v53, v60;
	v3 =	vmul.f32 v3, v57  }
0xa8: {  	v2 =	vsub.f32 v2, v1  }
0xa9: {  	v5 =	vsub.f32 v63, v62;
	v3 =	vadd.f32 v3, v58;
	_ =	sdelay $0x1  }
0xaa: {  	v2 =	vmul.f32 v2, v61;
	v5 =	vmul.f32 v5, v61;
	[tilespmem:s29+$0x1D000] =	vst v3  }
0xab: {  	v3 =	vld [tilespmem:s31+$0x9000]  }
0xac: {  	v1 =	vadd.f32 v2, v1;
	v2 =	vadd.f32 v5, v62;
	_ =	sdelay $0x1  }
0xad: {  	v2 =	vsub.f32 v2, v1;
	_ =	sdelay $0x1  }
0xae: {  	v2 =	vmul.f32 v2, v3;
	_ =	sdelay $0x1  }
0xaf: {  	s3 =	sadd.s32 s28, s12;
	v1 =	vadd.f32 v2, v1  }
0xb0: {  	s3 =	sshrl.u32 s3, $0x3  }
0xb1: {  	s18 =	simm.s32 $0x1D000;
	s3 =	sadd.s32 s1, s3;
	[tilespmem:s31+$0x1D000] =	vst v1  }
0xb2: {  	[hbm4b:s3+s2] =	stream.linear.scatter [tilespmem:s18], [sflag:$0x6], $0x1000, $0x38;
	[tilespmem:$0x1E000] =	vst v63  }
.LBB2_8:
0xb3: {  	_ =	swait.ge [sflag:s0], $0x1000  }
0xb4: {  	[sflag:s0] =	ssyncset.done $0x0  }
0xb5: {  	[sflag:s0] =	ssyncadd.s32 $0xFFFFF000  }
0xb6: {  	_ =	swait.ge [sflag:s0], $0x1000  }
0xb7: {  	[sflag:s0] =	ssyncset.done $0x0  }
0xb8: {  	p1 =	seq.s32 s25, $0xF;
	[sflag:s0] =	ssyncadd.s32 $0xFFFFF000  }
0xb9: {  	s3 =	sadd.s32 @!p1 s28, s13;
	_ =	swait.ge [sflag:s0], $0x1000  }
0xba: {  	s3 =	sshrl.u32 @!p1 s3, $0x3;
	[sflag:s0] =	ssyncset.done $0x0  }
0xbb: {  	s28 =	simm.s32 @!p1 $0x0;
	s18 =	sadd.s32 @!p1 s4, s3;
	[sflag:s0] =	ssyncadd.s32 $0xFFFFF000  }
0xbc: {  	[tilespmem:s28], [sflag:$0x3] =	stream.linear.gather @!p1 [hbm4b:s18+s28], $0x1000, $0x38;
	[tilespmem:$0x1E000] =	vst v63  }
0xbd: {  	s29 =	simm.s32 @!p1 $0x1000;
	s18 =	sadd.s32 @!p1 s5, s3  }
0xbe: {  	[tilespmem:s29], [sflag:$0x3] =	stream.linear.gather @!p1 [hbm4b:s18+s28], $0x1000, $0x38;
	[tilespmem:$0x1E000] =	vst v63  }
0xbf: {  	s3 =	sadd.s32 @!p1 s6, s3;
	s18 =	simm.s32 @!p1 $0x2000  }
0xc0: {  	[tilespmem:s18], [sflag:$0x3] =	stream.linear.gather @!p1 [hbm4b:s3+s28], $0x1000, $0x38;
	[tilespmem:$0x1E000] =	vst v63  }
0xc1: {  	s28 =	simm.s32 $0x0  }
0xc2: {  	v1 =	vmov s23;
	v2 =	vld [tilespmem:s28+$0x3000]  }
0xc3: {  	v4 =	vshrl.u32 v1, $0xE  }
0xc4: {  	v3 =	vand.u32 $0x7F, v4;
	v5 =	vld [tilespmem:s28+$0x4000]  }
0xc5: {  	v1 =	vshrl.u32 v1, $0x7;
	v3 =	vcvt.s32.f32 v3  }
0xc6: {  	v1 =	vand.u32 $0x7F, v1  }
0xc7: {  	v1 =	vcvt.s32.f32 v1;
	v2 =	vadd.f32 v3, v2;
	_ =	sdelay $0x1  }
0xc8: {  	v3 =	vadd.f32 v1, v5;
	v5 =	vld [tilespmem:s28+$0x5000];
	v2 =	vmax.f32 v2, $0.0e+00  }
0xc9: {  	v6 =	vor.u32 s23, v0;
	v1 =	vmin.f32 v2, $1.270000000e+02  }
0xca: {  	v3 =	vmax.f32 v3, $0.0e+00;
	v2 =	vand.u32 $0x7F, v6;
	v6 =	vtrunc.f32 v1  }
0xcb: {  	v3 =	vmin.f32 v3, $1.270000000e+02;
	v2 =	vcvt.s32.f32 v2;
	v9 =	vcvt.f32.s32 v6  }
0xcc: {  	v6 =	vtrunc.f32 v3  }
0xcd: {  	v2 =	vadd.f32 v2, v5;
	v6 =	vcvt.f32.s32 v6;
	v7 =	vadd.s32 $0x1, v9  }
0xce: {  	v10 =	vand.u32 $0x3FF80, v4;
	v5 =	vcvt.s32.f32 v9;
	vm0 =	vlt.s32 v7, $0x7F  }
0xcf: {  	v2 =	vmax.f32 v2, $0.0e+00;
	v8 =	vadd.s32 $0x1, v6;
	v7 =	vnsel vm0, $0x7F, v7  }
0xd0: {  	v4 =	vmin.f32 v2, $1.270000000e+02;
	vm15 =	vlt.s32 v8, $0x7F;
	v2 =	vadd.s32 v10, v7  }
0xd1: {  	v11 =	vtrunc.f32 v4;
	v7 =	vnsel vm15, $0x7F, v8;
	v8 =	vshll.u32 v2, $0x7  }
0xd2: {  	s30 =	sadd.s32 $0x10, s23;
	s29 =	simm.s32 $0x10;
	s3 =	simm.s32 $0x80;
	v9 =	vadd.s32 v9, v10;
	v2 =	vcvt.f32.s32 v11;
	v10 =	vadd.s32 v7, v8  }
.LBB2_9:
0xd3: {  	p1 =	sne.s32 s3, $0x3FC0;
	v11 =	vmov s30;
	v12 =	vld [tilespmem:s29+$0x3000];
	v9 =	vshll.u32 v9, $0x7;
	v10 =	vshll.u32 v10, $0x7  }
0xd4: {  	v14 =	vcvt.s32.f32 v6;
	v13 =	vshrl.u32 v11, $0xE;
	v10 =	vadd.s32 v2, v10  }
0xd5: {  	v8 =	vadd.s32 v6, v8;
	v17 =	vcvt.s32.f32 v2;
	v15 =	vand.u32 $0x7F, v13;
	v16 =	vld [tilespmem:s29+$0x4000];
	[tilespmem:s28+$0x13000] =	vst v10  }
0xd6: {  	v7 =	vadd.s32 v9, v7;
	v10 =	vshrl.u32 v11, $0x7;
	v11 =	vcvt.s32.f32 v15  }
0xd7: {  	v6 =	vadd.s32 v6, v9;
	v8 =	vshll.u32 v8, $0x7;
	v10 =	vand.u32 $0x7F, v10  }
0xd8: {  	v7 =	vshll.u32 v7, $0x7;
	v10 =	vcvt.s32.f32 v10;
	v9 =	vadd.f32 v11, v12  }
0xd9: {  	v5 =	vsub.f32 v1, v5;
	v6 =	vshll.u32 v6, $0x7;
	v11 =	vsub.f32 v3, v14  }
0xda: {  	v4 =	vsub.f32 v4, v17;
	v1 =	vmax.f32 v9, $0.0e+00;
	v3 =	vadd.f32 v10, v16;
	v9 =	vld [tilespmem:s29+$0x5000]  }
0xdb: {  	v10 =	vor.u32 s30, v0;
	v1 =	vmin.f32 v1, $1.270000000e+02;
	[tilespmem:s28+$0x9000] =	vst v5;
	v5 =	vadd.s32 v2, v8  }
0xdc: {  	v8 =	vand.u32 $0x7F, v10;
	v3 =	vmax.f32 v3, $0.0e+00;
	v10 =	vtrunc.f32 v1;
	[tilespmem:s28+$0x12000] =	vst v5  }
0xdd: {  	v5 =	vcvt.s32.f32 v8;
	v3 =	vmin.f32 v3, $1.270000000e+02;
	v10 =	vcvt.f32.s32 v10;
	[tilespmem:s28+$0xA000] =	vst v11  }
0xde: {  	v8 =	vtrunc.f32 v3;
	[tilespmem:s28+$0xB000] =	vst v4;
	v4 =	vadd.s32 v2, v6;
	v2 =	vadd.s32 v2, v7  }
0xdf: {  	v7 =	vadd.f32 v5, v9;
	v6 =	vcvt.f32.s32 v8;
	v8 =	vadd.s32 $0x1, v10;
	[tilespmem:s28+$0x11000] =	vst v2  }
.Ltmp3:
0xe0: {  	v5 =	vcvt.s32.f32 v10;
	v9 =	vand.u32 $0x3FF80, v13;
	vm0 =	vlt.s32 v8, $0x7F;
	[tilespmem:s28+$0x10000] =	vst v4;
	s28 =	smov.u32 s29;
	(pc) =	sbr.rel @p1 .LBB2_9-.Ltmp3, $4  }
0xe1: {  	v2 =	vmax.f32 v7, $0.0e+00;
	v7 =	vnsel vm0, $0x7F, v8;
	v8 =	vadd.s32 $0x1, v6  }
0xe2: {  	v4 =	vmin.f32 v2, $1.270000000e+02;
	vm0 =	vlt.s32 v8, $0x7F;
	v2 =	vadd.s32 v9, v7  }
0xe3: {  	v11 =	vtrunc.f32 v4;
	v7 =	vnsel vm0, $0x7F, v8;
	v8 =	vshll.u32 v2, $0x7  }
0xe4: {  	s30 =	sadd.s32 $0x10, s30;
	s29 =	sshra.s32 s3, $0x2;
	s3 =	sadd.s32 $0x40, s3;
	v9 =	vadd.s32 v10, v9;
	v2 =	vcvt.f32.s32 v11;
	v10 =	vadd.s32 v7, v8  }
0xe5: {  	v11 =	vmov s30;
	v12 =	vld [tilespmem:s29+$0x3000]  }
0xe6: {  	v9 =	vshll.u32 v9, $0x7;
	v10 =	vshll.u32 v10, $0x7;
	v13 =	vshrl.u32 v11, $0xE  }
0xe7: {  	v14 =	vcvt.s32.f32 v6;
	v16 =	vld [tilespmem:s29+$0x4000];
	v8 =	vadd.s32 v6, v8;
	v15 =	vand.u32 $0x7F, v13  }
0xe8: {  	v1 =	vsub.f32 v1, v5;
	v11 =	vshrl.u32 v11, $0x7;
	v15 =	vcvt.s32.f32 v15  }
0xe9: {  	v10 =	vadd.s32 v2, v10;
	v7 =	vadd.s32 v9, v7;
	v11 =	vand.u32 $0x7F, v11  }
0xea: {  	v6 =	vadd.s32 v6, v9;
	v11 =	vcvt.s32.f32 v11;
	v9 =	vadd.f32 v15, v12  }
0xeb: {  	v17 =	vcvt.s32.f32 v2;
	v8 =	vshll.u32 v8, $0x7;
	[tilespmem:s28+$0x13000] =	vst v10;
	v7 =	vshll.u32 v7, $0x7  }
0xec: {  	v3 =	vsub.f32 v3, v14;
	v10 =	vld [tilespmem:s29+$0x5000];
	v5 =	vmax.f32 v9, $0.0e+00;
	v9 =	vadd.f32 v11, v16  }
0xed: {  	v6 =	vshll.u32 v6, $0x7;
	v11 =	vor.u32 s30, v0;
	v5 =	vmin.f32 v5, $1.270000000e+02  }
0xee: {  	v11 =	vand.u32 $0x7F, v11;
	v9 =	vmax.f32 v9, $0.0e+00;
	v12 =	vtrunc.f32 v5  }
0xef: {  	v11 =	vcvt.s32.f32 v11;
	v9 =	vmin.f32 v9, $1.270000000e+02;
	v12 =	vcvt.f32.s32 v12  }
0xf0: {  	v8 =	vadd.s32 v2, v8;
	v13 =	vand.u32 $0x3FF80, v13;
	v14 =	vtrunc.f32 v9  }
0xf1: {  	v10 =	vadd.f32 v11, v10;
	v11 =	vcvt.f32.s32 v14;
	v14 =	vadd.s32 $0x1, v12  }
0xf2: {  	v4 =	vsub.f32 v4, v17;
	v7 =	vadd.s32 v2, v7;
	vm0 =	vlt.s32 v14, $0x7F  }
0xf3: {  	[tilespmem:s28+$0x9000] =	vst v1;
	v1 =	vmax.f32 v10, $0.0e+00;
	v10 =	vnsel vm0, $0x7F, v14;
	v14 =	vadd.s32 $0x1, v11  }
0xf4: {  	[tilespmem:s28+$0x12000] =	vst v8;
	v1 =	vmin.f32 v1, $1.270000000e+02;
	vm15 =	vlt.s32 v14, $0x7F;
	v8 =	vadd.s32 v13, v10  }
0xf5: {  	[tilespmem:s28+$0xA000] =	vst v3;
	v3 =	vtrunc.f32 v1;
	v10 =	vnsel vm15, $0x7F, v14;
	v8 =	vshll.u32 v8, $0x7  }
0xf6: {  	[tilespmem:s28+$0xB000] =	vst v4;
	v4 =	vcvt.s32.f32 v12;
	v3 =	vcvt.f32.s32 v3;
	v14 =	vadd.s32 v10, v8  }
0xf7: {  	v2 =	vadd.s32 v2, v6;
	[tilespmem:s28+$0x11000] =	vst v7;
	v7 =	vcvt.s32.f32 v11;
	v6 =	vshll.u32 v14, $0x7  }
0xf8: {  	[tilespmem:s28+$0x10000] =	vst v2;
	v4 =	vsub.f32 v5, v4;
	v2 =	vadd.s32 v3, v6;
	v6 =	vadd.s32 v11, v8  }
0xf9: {  	v5 =	vadd.s32 v12, v13;
	v8 =	vcvt.s32.f32 v3;
	[tilespmem:s29+$0x13000] =	vst v2;
	v2 =	vshll.u32 v6, $0x7  }
0xfa: {  	v5 =	vshll.u32 v5, $0x7;
	[tilespmem:s29+$0x9000] =	vst v4;
	v6 =	vsub.f32 v9, v7;
	v2 =	vadd.s32 v3, v2  }
0xfb: {  	v4 =	vadd.s32 v5, v10;
	v1 =	vsub.f32 v1, v8;
	[tilespmem:s29+$0x12000] =	vst v2  }
0xfc: {  	v4 =	vshll.u32 v4, $0x7;
	v2 =	vadd.s32 v11, v5;
	[tilespmem:s29+$0xA000] =	vst v6  }
0xfd: {  	v2 =	vshll.u32 v2, $0x7;
	[tilespmem:s29+$0xB000] =	vst v1;
	v1 =	vadd.s32 v3, v4  }
0xfe: {  	v2 =	vadd.s32 v3, v2;
	[tilespmem:s29+$0x11000] =	vst v1  }
0xff: {  	s3 =	simm.s32 $0x10000;
	s18 =	simm.s32 $0x18000;
	[tilespmem:s29+$0x10000] =	vst v2  }
0x100: {  	[tilespmem:s18], [sflag:$0x2] =	stream.indirect.gather [hbm4b:s8+s17], $0x1, s3, s17, $0xb8;
	[tilespmem:$0x1E000] =	vst v63  }
0x101: {  	_ = 	snop  }
0x102: {  	[tilespmem:s10], [sflag:$0x2] =	stream.indirect.gather [hbm4b:s8+s17], $0x1, s9, s17, $0xb8;
	[tilespmem:$0x1E000] =	vst v63  }
0x103: {  	_ = 	snop  }
0x104: {  	[tilespmem:s14], [sflag:$0x2] =	stream.indirect.gather [hbm4b:s8+s17], $0x1, s11, s17, $0xb8;
	[tilespmem:$0x1E000] =	vst v63  }
0x105: {  	_ = 	snop  }
0x106: {  	[tilespmem:s16], [sflag:$0x2] =	stream.indirect.gather [hbm4b:s8+s17], $0x1, s15, s17, $0xb8;
	[tilespmem:$0x1E000] =	vst v63  }
0x107: {  	_ =	swait.ge [sflag:s20], $0x1000  }
0x108: {  	[sflag:s20] =	ssyncset.done $0x0  }
0x109: {  	[sflag:s20] =	ssyncadd.s32 $0xFFFFF000  }
0x10a: {  	_ =	swait.ge [sflag:s20], $0x1000  }
0x10b: {  	[sflag:s20] =	ssyncset.done $0x0  }
0x10c: {  	[sflag:s20] =	ssyncadd.s32 $0xFFFFF000  }
0x10d: {  	_ =	swait.ge [sflag:s20], $0x1000  }
0x10e: {  	[sflag:s20] =	ssyncset.done $0x0  }
0x10f: {  	[sflag:s20] =	ssyncadd.s32 $0xFFFFF000  }
0x110: {  	_ =	swait.ge [sflag:s20], $0x1000  }
0x111: {  	[sflag:s20] =	ssyncset.done $0x0  }
0x112: {  	s3 =	simm.s32 @!p0 $0x5;
	[sflag:s20] =	ssyncadd.s32 $0xFFFFF000  }
0x113: {  	_ =	swait.ge @!p0 [sflag:s3], $0x1000  }
0x114: {  	[sflag:s3] =	ssyncset.done @!p0 $0x0  }
0x115: {  	s29 =	simm.s32 $0x0;
	[sflag:s3] =	ssyncadd.s32 @!p0 $0xFFFFF000  }
0x116: {  	v1 =	vld [tilespmem:s29+$0x14000]  }
0x117: {  	v2 =	vld [tilespmem:s29+$0x15000]  }
0x118: {  	v3 =	vld [tilespmem:s29+$0x16000]  }
0x119: {  	v4 =	vld [tilespmem:s29+$0x17000];
	_ =	sdelay $0x2  }
0x11a: {  	v6 =	vld [tilespmem:s29+$0x8000];
	v5 =	vand.u32 $0xFFFF0000, v1  }
0x11b: {  	s28 =	simm.s32 $0x10;
	v1 =	vshll.u32 v1, $0x10;
	v7 =	vand.u32 $0xFFFF0000, v2;
	v2 =	vshll.u32 v2, $0x10  }
0x11c: {  	v8 =	vld [tilespmem:s28+$0x14000];
	v9 =	vand.u32 $0xFFFF0000, v3;
	v3 =	vshll.u32 v3, $0x10;
	v10 =	vand.u32 $0xFFFF0000, v4  }
0x11d: {  	v11 =	vld [tilespmem:s28+$0x15000];
	v4 =	vshll.u32 v4, $0x10;
	v1 =	vsub.f32 v1, v5;
	v2 =	vsub.f32 v2, v7  }
0x11e: {  	v12 =	vld [tilespmem:s28+$0x16000];
	v3 =	vsub.f32 v3, v9;
	v4 =	vsub.f32 v4, v10  }
0x11f: {  	v1 =	vmul.f32 v1, v6;
	v2 =	vmul.f32 v2, v6  }
0x120: {  	v13 =	vld [tilespmem:s28+$0x17000];
	v3 =	vmul.f32 v3, v6;
	v4 =	vmul.f32 v4, v6  }
0x121: {  	v14 =	vld [tilespmem:s29+$0x7000];
	v6 =	vand.u32 $0xFFFF0000, v8;
	v15 =	vadd.f32 v5, v1;
	v1 =	vadd.f32 v7, v2  }
0x122: {  	v2 =	vshll.u32 v8, $0x10;
	v8 =	vadd.f32 v9, v3;
	v4 =	vadd.f32 v10, v4  }
0x123: {  	s30 =	simm.s32 $0x20;
	v16 =	vand.u32 $0xFFFF0000, v11;
	v7 =	vshll.u32 v11, $0x10;
	v3 =	vand.u32 $0xFFFF0000, v12;
	v11 =	vld [tilespmem:s28+$0x8000]  }
0x124: {  	v10 =	vld [tilespmem:s30+$0x14000];
	v9 =	vshll.u32 v12, $0x10;
	v1 =	vsub.f32 v1, v15;
	v12 =	vsub.f32 v4, v8  }
0x125: {  	v5 =	vand.u32 $0xFFFF0000, v13;
	v13 =	vshll.u32 v13, $0x10;
	v2 =	vsub.f32 v2, v6  }
0x126: {  	v17 =	vsub.f32 v7, v16;
	v4 =	vld [tilespmem:s30+$0x15000];
	v7 =	vmul.f32 v1, v14;
	v14 =	vmul.f32 v12, v14  }
0x127: {  	v18 =	vsub.f32 v9, v3;
	v19 =	vsub.f32 v13, v5;
	v12 =	vld [tilespmem:s29+$0x6000]  }
0x128: {  	v9 =	vld [tilespmem:s30+$0x16000];
	v20 =	vmul.f32 v2, v11;
	v7 =	vadd.f32 v7, v15;
	v15 =	vadd.f32 v14, v8  }
0x129: {  	v1 =	vand.u32 $0xFFFF0000, v10;
	v17 =	vmul.f32 v17, v11;
	v13 =	vmul.f32 v18, v11  }
0x12a: {  	v8 =	vshll.u32 v10, $0x10;
	v10 =	vld [tilespmem:s30+$0x17000];
	v14 =	vmul.f32 v19, v11;
	v15 =	vsub.f32 v15, v7  }
0x12b: {  	s3 =	simm.s32 $0xC0;
	v11 =	vld [tilespmem:s28+$0x7000];
	v2 =	vand.u32 $0xFFFF0000, v4;
	v6 =	vadd.f32 v6, v20;
	v16 =	vadd.f32 v16, v17  }
.LBB2_11:
0x12c: {  	s18 =	sshra.s32 s3, $0x2;
	p0 =	sne.s32 s3, $0x3FC0;
	v13 =	vadd.f32 v3, v13;
	v5 =	vadd.f32 v5, v14;
	v12 =	vmul.f32 v15, v12  }
0x12d: {  	v15 =	vshll.u32 v4, $0x10;
	v14 =	vld [tilespmem:s18+$0x14000];
	v3 =	vand.u32 $0xFFFF0000, v9;
	v16 =	vsub.f32 v16, v6  }
0x12e: {  	v9 =	vshll.u32 v9, $0x10;
	v17 =	vld [tilespmem:s30+$0x8000];
	v18 =	vsub.f32 v5, v13;
	v7 =	vadd.f32 v12, v7  }
0x12f: {  	v19 =	vsub.f32 v8, v1;
	v5 =	vand.u32 $0xFFFF0000, v10;
	v8 =	vshll.u32 v10, $0x10  }
0x130: {  	v10 =	vsub.f32 v15, v2;
	v4 =	vld [tilespmem:s18+$0x15000];
	v15 =	vmul.f32 v16, v11;
	v11 =	vmul.f32 v18, v11;
	[tilespmem:s29+$0x1C000] =	vst v7;
	s29 =	smov.u32 s28;
	s28 =	smov.u32 s30;
	s30 =	smov.u32 s18  }
.Ltmp4:
0x131: {  	v16 =	vsub.f32 v9, v3;
	v18 =	vsub.f32 v8, v5;
	v12 =	vld [tilespmem:s29+$0x6000];
	(pc) =	sbr.rel @p0 .LBB2_11-.Ltmp4, $4  }
0x132: {  	v20 =	vand.u32 $0xFFFF0000, v14;
	v9 =	vld [tilespmem:s30+$0x16000];
	v7 =	vadd.f32 v15, v6;
	v6 =	vadd.f32 v11, v13  }
0x133: {  	v8 =	vshll.u32 v14, $0x10;
	v19 =	vmul.f32 v19, v17;
	v21 =	vmul.f32 v10, v17  }
0x134: {  	v13 =	vmul.f32 v16, v17;
	v14 =	vmul.f32 v18, v17;
	v10 =	vld [tilespmem:s30+$0x17000];
	v15 =	vsub.f32 v6, v7  }
0x135: {  	s3 =	sadd.s32 $0x40, s3;
	v11 =	vld [tilespmem:s28+$0x7000];
	v6 =	vadd.f32 v1, v19;
	v16 =	vadd.f32 v2, v21;
	v2 =	vand.u32 $0xFFFF0000, v4;
	v1 =	vmovc v20  }
0x136: {  	v3 =	vadd.f32 v3, v13;
	v5 =	vadd.f32 v5, v14;
	v12 =	vmul.f32 v15, v12  }
0x137: {  	v4 =	vshll.u32 v4, $0x10;
	v8 =	vsub.f32 v8, v1;
	v50 =	vsub.f32 v16, v6  }
0x138: {  	v51 =	vld [tilespmem:s30+$0x8000];
	v49 =	vand.u32 $0xFFFF0000, v9;
	v5 =	vsub.f32 v5, v3;
	v7 =	vadd.f32 v12, v7  }
0x139: {  	v52 =	vshll.u32 v9, $0x10;
	v4 =	vsub.f32 v4, v2;
	v53 =	vand.u32 $0xFFFF0000, v10  }
0x13a: {  	v54 =	vshll.u32 v10, $0x10;
	v14 =	vmul.f32 v50, v11;
	v5 =	vmul.f32 v5, v11;
	[tilespmem:s29+$0x1C000] =	vst v7  }
0x13b: {  	v55 =	vsub.f32 v52, v49;
	v56 =	vsub.f32 v54, v53;
	v57 =	vld [tilespmem:s28+$0x6000]  }
0x13c: {  	v58 =	vadd.f32 v14, v6;
	v3 =	vadd.f32 v5, v3  }
0x13d: {  	v59 =	vmul.f32 v8, v51;
	v4 =	vmul.f32 v4, v51  }
0x13e: {  	v7 =	vmul.f32 v55, v51;
	v60 =	vmul.f32 v56, v51;
	v3 =	vsub.f32 v3, v58  }
0x13f: {  	v61 =	vld [tilespmem:s30+$0x7000];
	v1 =	vadd.f32 v1, v59;
	v2 =	vadd.f32 v2, v4  }
0x140: {  	v62 =	vadd.f32 v49, v7;
	v63 =	vadd.f32 v53, v60;
	v3 =	vmul.f32 v3, v57  }
0x141: {  	v2 =	vsub.f32 v2, v1  }
0x142: {  	v5 =	vsub.f32 v63, v62;
	v3 =	vadd.f32 v3, v58;
	_ =	sdelay $0x1  }
0x143: {  	v2 =	vmul.f32 v2, v61;
	v5 =	vmul.f32 v5, v61;
	[tilespmem:s28+$0x1C000] =	vst v3  }
0x144: {  	v3 =	vld [tilespmem:s30+$0x6000]  }
0x145: {  	v1 =	vadd.f32 v2, v1;
	v2 =	vadd.f32 v5, v62;
	_ =	sdelay $0x1  }
0x146: {  	v2 =	vsub.f32 v2, v1  }
0x147: {  	s25 =	sadd.s32 $0x1, s25  }
0x148: {  	p0 =	sne.s32 s25, $0x10;
	v2 =	vmul.f32 v2, v3  }
.Ltmp5:
0x149: {  	_ = 	snop;
	(pc) =	sbr.rel @p0 .LBB2_2-.Ltmp5, $4  }
0x14a: {  	v1 =	vadd.f32 v2, v1  }
0x14b: {  	s3 =	sshrl.u32 s26, $0x3  }
0x14c: {  	s7 =	sadd.s32 $0x2000, s7;
	s23 =	sadd.s32 $0x2000, s23;
	s3 =	sadd.s32 s1, s3;
	[tilespmem:s30+$0x1C000] =	vst v1  }
0x14d: {  	[hbm4b:s3+s2] =	stream.linear.scatter [tilespmem:s21], [sflag:$0x5], $0x1000, $0x38;
	[tilespmem:$0x1E000] =	vst v63  }
0x14e: {  	_ =	swait.ge [sflag:s22], $0x1000  }
0x14f: {  	[sflag:s22] =	ssyncset.done $0x0  }
0x150: {  	[sflag:s22] =	ssyncadd.s32 $0xFFFFF000  }
0x151: {  	_ =	swait.ge [sflag:s22], $0x1000  }
0x152: {  	[sflag:s22] =	ssyncset.done $0x0  }
0x153: {  	[sflag:s22] =	ssyncadd.s32 $0xFFFFF000  }
0x154: {  	_ =	swait.ge [sflag:s22], $0x1000  }
0x155: {  	[sflag:s22] =	ssyncset.done $0x0  }
0x156: {  	[sflag:s22] =	ssyncadd.s32 $0xFFFFF000  }
0x157: {  	_ =	swait.ge [sflag:s22], $0x1000  }
0x158: {  	[sflag:s22] =	ssyncset.done $0x0  }
0x159: {  	s26 =	simm.s32 $0x6;
	[sflag:s22] =	ssyncadd.s32 $0xFFFFF000  }
0x15a: {  	_ =	swait.ge [sflag:s26], $0x1000  }
0x15b: {  	[sflag:s26] =	ssyncset.done $0x0  }
0x15c: {  	s23 =	simm.s32 $0x0;
	[sflag:s26] =	ssyncadd.s32 $0xFFFFF000  }
0x15d: {  	v1 =	vld [tilespmem:s23+$0x18000]  }
0x15e: {  	v2 =	vld [tilespmem:s23+$0x19000]  }
0x15f: {  	v3 =	vld [tilespmem:s23+$0x1A000]  }
0x160: {  	v4 =	vld [tilespmem:s23+$0x1B000];
	_ =	sdelay $0x2  }
0x161: {  	v6 =	vld [tilespmem:s23+$0xB000];
	v5 =	vand.u32 $0xFFFF0000, v1  }
0x162: {  	s7 =	simm.s32 $0x10;
	v1 =	vshll.u32 v1, $0x10;
	v7 =	vand.u32 $0xFFFF0000, v2;
	v2 =	vshll.u32 v2, $0x10  }
0x163: {  	v8 =	vld [tilespmem:s7+$0x18000];
	v9 =	vand.u32 $0xFFFF0000, v3;
	v3 =	vshll.u32 v3, $0x10;
	v10 =	vand.u32 $0xFFFF0000, v4  }
0x164: {  	v11 =	vld [tilespmem:s7+$0x19000];
	v4 =	vshll.u32 v4, $0x10;
	v1 =	vsub.f32 v1, v5;
	v2 =	vsub.f32 v2, v7  }
0x165: {  	v12 =	vld [tilespmem:s7+$0x1A000];
	v3 =	vsub.f32 v3, v9;
	v4 =	vsub.f32 v4, v10  }
0x166: {  	v1 =	vmul.f32 v1, v6;
	v2 =	vmul.f32 v2, v6  }
0x167: {  	v13 =	vld [tilespmem:s7+$0x1B000];
	v3 =	vmul.f32 v3, v6;
	v4 =	vmul.f32 v4, v6  }
0x168: {  	v14 =	vld [tilespmem:s23+$0xA000];
	v6 =	vand.u32 $0xFFFF0000, v8;
	v15 =	vadd.f32 v5, v1;
	v1 =	vadd.f32 v7, v2  }
0x169: {  	v2 =	vshll.u32 v8, $0x10;
	v8 =	vadd.f32 v9, v3;
	v4 =	vadd.f32 v10, v4  }
0x16a: {  	s25 =	simm.s32 $0x20;
	v16 =	vand.u32 $0xFFFF0000, v11;
	v7 =	vshll.u32 v11, $0x10;
	v3 =	vand.u32 $0xFFFF0000, v12;
	v11 =	vld [tilespmem:s7+$0xB000]  }
0x16b: {  	v10 =	vld [tilespmem:s25+$0x18000];
	v9 =	vshll.u32 v12, $0x10;
	v1 =	vsub.f32 v1, v15;
	v12 =	vsub.f32 v4, v8  }
0x16c: {  	v5 =	vand.u32 $0xFFFF0000, v13;
	v13 =	vshll.u32 v13, $0x10;
	v2 =	vsub.f32 v2, v6  }
0x16d: {  	v17 =	vsub.f32 v7, v16;
	v4 =	vld [tilespmem:s25+$0x19000];
	v7 =	vmul.f32 v1, v14;
	v14 =	vmul.f32 v12, v14  }
0x16e: {  	v18 =	vsub.f32 v9, v3;
	v19 =	vsub.f32 v13, v5;
	v12 =	vld [tilespmem:s23+$0x9000]  }
0x16f: {  	v9 =	vld [tilespmem:s25+$0x1A000];
	v20 =	vmul.f32 v2, v11;
	v7 =	vadd.f32 v7, v15;
	v15 =	vadd.f32 v14, v8  }
0x170: {  	v1 =	vand.u32 $0xFFFF0000, v10;
	v17 =	vmul.f32 v17, v11;
	v13 =	vmul.f32 v18, v11  }
0x171: {  	v8 =	vshll.u32 v10, $0x10;
	v10 =	vld [tilespmem:s25+$0x1B000];
	v14 =	vmul.f32 v19, v11;
	v15 =	vsub.f32 v15, v7  }
0x172: {  	s3 =	simm.s32 $0xC0;
	v11 =	vld [tilespmem:s7+$0xA000];
	v2 =	vand.u32 $0xFFFF0000, v4;
	v6 =	vadd.f32 v6, v20;
	v16 =	vadd.f32 v16, v17  }
.LBB2_14:
0x173: {  	s18 =	sshra.s32 s3, $0x2;
	p0 =	sne.s32 s3, $0x3FC0;
	v13 =	vadd.f32 v3, v13;
	v5 =	vadd.f32 v5, v14;
	v12 =	vmul.f32 v15, v12  }
0x174: {  	v15 =	vshll.u32 v4, $0x10;
	v14 =	vld [tilespmem:s18+$0x18000];
	v3 =	vand.u32 $0xFFFF0000, v9;
	v16 =	vsub.f32 v16, v6  }
0x175: {  	v9 =	vshll.u32 v9, $0x10;
	v17 =	vld [tilespmem:s25+$0xB000];
	v18 =	vsub.f32 v5, v13;
	v7 =	vadd.f32 v12, v7  }
0x176: {  	v19 =	vsub.f32 v8, v1;
	v5 =	vand.u32 $0xFFFF0000, v10;
	v8 =	vshll.u32 v10, $0x10  }
0x177: {  	v10 =	vsub.f32 v15, v2;
	v4 =	vld [tilespmem:s18+$0x19000];
	v15 =	vmul.f32 v16, v11;
	v11 =	vmul.f32 v18, v11;
	[tilespmem:s23+$0x1D000] =	vst v7;
	s23 =	smov.u32 s7;
	s7 =	smov.u32 s25;
	s25 =	smov.u32 s18  }
.Ltmp6:
0x178: {  	v16 =	vsub.f32 v9, v3;
	v18 =	vsub.f32 v8, v5;
	v12 =	vld [tilespmem:s23+$0x9000];
	(pc) =	sbr.rel @p0 .LBB2_14-.Ltmp6, $4  }
0x179: {  	v20 =	vand.u32 $0xFFFF0000, v14;
	v9 =	vld [tilespmem:s25+$0x1A000];
	v7 =	vadd.f32 v15, v6;
	v6 =	vadd.f32 v11, v13  }
0x17a: {  	v8 =	vshll.u32 v14, $0x10;
	v19 =	vmul.f32 v19, v17;
	v21 =	vmul.f32 v10, v17  }
0x17b: {  	v13 =	vmul.f32 v16, v17;
	v14 =	vmul.f32 v18, v17;
	v10 =	vld [tilespmem:s25+$0x1B000];
	v15 =	vsub.f32 v6, v7  }
0x17c: {  	s3 =	sadd.s32 $0x40, s3;
	v11 =	vld [tilespmem:s7+$0xA000];
	v6 =	vadd.f32 v1, v19;
	v16 =	vadd.f32 v2, v21;
	v2 =	vand.u32 $0xFFFF0000, v4;
	v1 =	vmovc v20  }
0x17d: {  	v3 =	vadd.f32 v3, v13;
	v5 =	vadd.f32 v5, v14;
	v12 =	vmul.f32 v15, v12  }
0x17e: {  	v4 =	vshll.u32 v4, $0x10;
	v8 =	vsub.f32 v8, v1;
	v50 =	vsub.f32 v16, v6  }
0x17f: {  	v51 =	vld [tilespmem:s25+$0xB000];
	v49 =	vand.u32 $0xFFFF0000, v9;
	v5 =	vsub.f32 v5, v3;
	v7 =	vadd.f32 v12, v7  }
0x180: {  	v52 =	vshll.u32 v9, $0x10;
	v4 =	vsub.f32 v4, v2;
	v53 =	vand.u32 $0xFFFF0000, v10  }
0x181: {  	v54 =	vshll.u32 v10, $0x10;
	v14 =	vmul.f32 v50, v11;
	v5 =	vmul.f32 v5, v11;
	[tilespmem:s23+$0x1D000] =	vst v7  }
0x182: {  	v55 =	vsub.f32 v52, v49;
	v56 =	vsub.f32 v54, v53;
	v57 =	vld [tilespmem:s7+$0x9000]  }
0x183: {  	v58 =	vadd.f32 v14, v6;
	v3 =	vadd.f32 v5, v3  }
0x184: {  	v59 =	vmul.f32 v8, v51;
	v4 =	vmul.f32 v4, v51  }
0x185: {  	v7 =	vmul.f32 v55, v51;
	v60 =	vmul.f32 v56, v51;
	v3 =	vsub.f32 v3, v58  }
0x186: {  	v61 =	vld [tilespmem:s25+$0xA000];
	v1 =	vadd.f32 v1, v59;
	v2 =	vadd.f32 v2, v4  }
0x187: {  	v62 =	vadd.f32 v49, v7;
	v63 =	vadd.f32 v53, v60;
	v3 =	vmul.f32 v3, v57  }
0x188: {  	v2 =	vsub.f32 v2, v1  }
0x189: {  	v5 =	vsub.f32 v63, v62;
	v3 =	vadd.f32 v3, v58;
	_ =	sdelay $0x1  }
0x18a: {  	v2 =	vmul.f32 v2, v61;
	v5 =	vmul.f32 v5, v61;
	[tilespmem:s7+$0x1D000] =	vst v3  }
0x18b: {  	v3 =	vld [tilespmem:s25+$0x9000]  }
0x18c: {  	v1 =	vadd.f32 v2, v1;
	v2 =	vadd.f32 v5, v62;
	_ =	sdelay $0x1  }
0x18d: {  	v2 =	vsub.f32 v2, v1;
	_ =	sdelay $0x1  }
0x18e: {  	v2 =	vmul.f32 v2, v3;
	_ =	sdelay $0x1  }
0x18f: {  	v1 =	vadd.f32 v2, v1;
	_ =	sdelay $0x1  }
0x190: {  	s3 =	rddreg [dreg:$0x6];
	s29 =	simm.s32 $0x1D000;
	[tilespmem:s25+$0x1D000] =	vst v1  }
0x191: {  	[hbm4b:s3+s2] =	stream.linear.scatter [tilespmem:s29], [sflag:$0x6], $0x1000, $0x38;
	[tilespmem:$0x1E000] =	vst v63  }
0x192: {  	_ =	swait.ge [sflag:s26], $0x1000  }
0x193: {  	[sflag:s26] =	ssyncset.done $0x0  }
0x194: {  	s30 =	simm.s32 $0x5;
	[sflag:s26] =	ssyncadd.s32 $0xFFFFF000  }
0x195: {  	_ =	swait.ge [sflag:s30], $0x1000  }
0x196: {  	s18 =	rddreg [dreg:$0x9]  }
0x197: {  	s31 =	rddreg [dreg:$0x7];
	s18 =	sadd.s32 $0x1, s18  }
0x198: {  	p0 =	sne.s32 s18, s31  }
.Ltmp7:
0x199: {  	_ = 	snop;
	(pc) =	sbr.rel @p0 .LBB2_1-.Ltmp7, $3  }
0x19a: {  	_ =	sdelay $0x1  }
0x19b: {  	[sflag:s30] =	ssyncset.done $0x0  }
0x19c: {  	[sflag:s30] =	ssyncadd.s32 $0xFFFFF000  }
0x19d: {  	_ =	sfence.sel $0x180000  }
0x19e: {  	[bflag:$0x0] =	sbarrier.arrive $0xFFFF  }
0x19f: {  	_ =	strace $0x90000047  }
0x1a0: {  	s0 =	stileid.u32;
	[bflag:$0x2] =	sbarrier.arrive $0xFFFF  }
0x1a1: {  	p0 =	sne.s32 s0, $0x0;
	s0 =	rddreg [dreg:$0x2]  }
0x1a2: {  	s0 =	sadd.s32 @!p0 $0x100000, s0  }
0x1a3: {  	[sflag:s0] =	ssyncadd.tile.s32 @!p0 $0x1;
	_ =	shalt  }
.Lfunc_end2:
_tile_overlayer_lowered:
.L_overlay_start_2:
0x1a4: {  	(tag) =	ssettag $0x2  }
0x1a5: {  	s0 =	rddreg [dreg:$0x0];
	s2 =	stileid.u32  }
0x1a6: {  	s1 =	rddreg [dreg:$0x1];
	p0 =	sne.s32 s2, $0x0  }
0x1a7: {  	s3 =	rddreg [dreg:$0x2];
	[bflag:$0x3] =	sbarrier.arrive $0xFFFF;
	s2 =	simm.s32 @!p0 $0x1C07  }
0x1a8: {  	[timem:s3], [sflag:s2] =	dma.local @!p0 [hbm:s0], s1  }
0x1a9: {  	s0 =	simm.s32 @!p0 $0x7  }
0x1aa: {  	_ =	swait.ge @!p0 [sflag:s0], s1  }
0x1ab: {  	s1 =	ssub.s32 @!p0 $0x0, s1;
	[sflag:s0] =	ssyncset.done @!p0 $0x0  }
0x1ac: {  	[sflag:s0] =	ssyncadd.s32 @!p0 s1  }
0x1ad: {  	[bflag:$0x3] =	sbarrier.arrive $0xFFFF  }
0x1ae: {  	_ =	shalt  }

</sc_bundles>
